<compile_context>
chip_gen: v7x
topology: tpu7x:2x2x1
jax: 0.10.2.dev20260603
libtpu: 0.0.44.dev20260713+nightly
codegen_flags: <defaults>
</compile_context>

<pallas_src>
import functools

import jax
import jax.numpy as jnp
from jax import lax
from jax.experimental import pallas as pl
from jax.experimental.pallas import tpu as pltpu
from jax.experimental.pallas import tpu_sc as plsc

N = 10000
E = 320000
D = 128

NC = 2
NS = 16
NW = NC * NS
CHUNK = 128
CPW = 79
EPW = CHUNK * CPW
E_PAD = EPW * NW
N_PAD = 10240
RPS = N_PAD // NS
DEGL = 128

ROWB = 1000

_mesh = plsc.VectorSubcoreMesh(core_axis_name="c", subcore_axis_name="s",
                               num_cores=NC, num_subcores=NS)


@functools.partial(
    pl.kernel,
    out_type=jax.ShapeDtypeStruct((NC, N_PAD, DEGL), jnp.float32),
    mesh=_mesh,
    scratch_types=[
        pltpu.VMEM((CHUNK,), jnp.int32),
        pltpu.VMEM((CHUNK, DEGL), jnp.float32),
        pltpu.VMEM_SHARED((N_PAD, DEGL), jnp.float32),
    ],
)
def _sc_degree(dst_hbm, out_hbm, didx, buf, acc):
    cid = lax.axis_index("c")
    sid = lax.axis_index("s")
    wid = cid * NS + sid

    @pl.loop(0, CHUNK)
    def _(i):
        @pl.loop(0, DEGL // 16)
        def _(j):
            buf[i, pl.ds(j * 16, 16)] = jnp.zeros((16,), jnp.float32)

    row0 = sid * RPS

    @pl.loop(0, RPS // CHUNK)
    def _(b):
        pltpu.sync_copy(buf, acc.at[pl.ds(row0 + b * CHUNK, CHUNK)])

    @pl.loop(0, CHUNK)
    def _(i):
        @pl.loop(0, DEGL // 16)
        def _(j):
            buf[i, pl.ds(j * 16, 16)] = jnp.ones((16,), jnp.float32)

    plsc.subcore_barrier()

    base0 = wid * EPW

    @pl.loop(0, CPW)
    def _(c):
        pltpu.sync_copy(dst_hbm.at[pl.ds(base0 + c * CHUNK, CHUNK)], didx)
        pltpu.sync_copy(buf, acc.at[didx], add=True)

    plsc.subcore_barrier()
    pltpu.sync_copy(acc.at[pl.ds(row0, RPS)], out_hbm.at[cid, pl.ds(row0, RPS)])


@functools.partial(
    pl.kernel,
    out_type=jax.ShapeDtypeStruct((NC, N_PAD, D), jnp.float32),
    mesh=_mesh,
    scratch_types=[
        pltpu.VMEM((CHUNK,), jnp.int32),
        pltpu.VMEM((CHUNK,), jnp.int32),
        pltpu.VMEM((CHUNK, D), jnp.float32),
        pltpu.VMEM_SHARED((N_PAD, D), jnp.float32),
        pltpu.SemaphoreType.DMA,
    ],
)
def _sc_aggregate(table_hbm, src_hbm, dst_hbm, out_hbm, sidx, didx, rows, acc, sem):
    cid = lax.axis_index("c")
    sid = lax.axis_index("s")
    wid = cid * NS + sid

    @pl.loop(0, CHUNK)
    def _(i):
        @pl.loop(0, D // 16)
        def _(j):
            rows[i, pl.ds(j * 16, 16)] = jnp.zeros((16,), jnp.float32)

    row0 = sid * RPS

    @pl.loop(0, RPS // CHUNK)
    def _(b):
        pltpu.sync_copy(rows, acc.at[pl.ds(row0 + b * CHUNK, CHUNK)])

    plsc.subcore_barrier()

    base0 = wid * EPW

    @pl.loop(0, CPW)
    def _(c):
        b = base0 + c * CHUNK
        pltpu.sync_copy(src_hbm.at[pl.ds(b, CHUNK)], sidx)
        pltpu.sync_copy(dst_hbm.at[pl.ds(b, CHUNK)], didx)
        pltpu.async_copy(table_hbm.at[sidx], rows, sem).wait()
        pltpu.sync_copy(rows, acc.at[didx], add=True)

    plsc.subcore_barrier()
    pltpu.sync_copy(acc.at[pl.ds(row0, RPS)], out_hbm.at[cid, pl.ds(row0, RPS)])


def _dinv_block(deg_ref):
    deg = deg_ref[0, :, 0:1] + deg_ref[1, :, 0:1] + 1.0
    return lax.rsqrt(deg)


def _tc_pre_body(x_ref, w_ref, deg_ref, o_ref):
    h = jnp.dot(x_ref[...], w_ref[...], preferred_element_type=jnp.float32)
    o_ref[...] = h * _dinv_block(deg_ref)


def _tc_mid_body(agg_ref, hs_ref, deg_ref, b_ref, w_ref, o_ref):
    dinv = _dinv_block(deg_ref)
    t = (agg_ref[0] + agg_ref[1] + hs_ref[...]) * dinv + b_ref[...]
    r = jnp.maximum(t, 0.0)
    o_ref[...] = jnp.dot(r, w_ref[...], preferred_element_type=jnp.float32) * dinv


def _tc_post_body(agg_ref, hs_ref, deg_ref, b_ref, o_ref):
    dinv = _dinv_block(deg_ref)
    t = (agg_ref[0] + agg_ref[1] + hs_ref[...]) * dinv + b_ref[...]
    m = jnp.max(t, axis=1, keepdims=True)
    lse = m + jnp.log(jnp.sum(jnp.exp(t - m), axis=1, keepdims=True))
    o_ref[...] = t - lse


_row_spec = pl.BlockSpec((ROWB, D), lambda i: (i, 0))
_agg_spec = pl.BlockSpec((NC, ROWB, D), lambda i: (0, i, 0))
_deg_spec = pl.BlockSpec((NC, ROWB, DEGL), lambda i: (0, i, 0))
_w_spec = pl.BlockSpec((D, D), lambda i: (0, 0))
_b_spec = pl.BlockSpec((1, D), lambda i: (0, 0))
_out_f32 = jax.ShapeDtypeStruct((N, D), jnp.float32)


def _tc_pre(x, w1, degp):
    return pl.pallas_call(
        _tc_pre_body,
        grid=(N // ROWB,),
        in_specs=[_row_spec, _w_spec, _deg_spec],
        out_specs=_row_spec,
        out_shape=_out_f32,
    )(x, w1, degp)


def _tc_mid(agg1, hs1, degp, b1, w2):
    return pl.pallas_call(
        _tc_mid_body,
        grid=(N // ROWB,),
        in_specs=[_agg_spec, _row_spec, _deg_spec, _b_spec, _w_spec],
        out_specs=_row_spec,
        out_shape=_out_f32,
    )(agg1, hs1, degp, b1, w2)


def _tc_post(agg2, hs2, degp, b2):
    return pl.pallas_call(
        _tc_post_body,
        grid=(N // ROWB,),
        in_specs=[_agg_spec, _row_spec, _deg_spec, _b_spec],
        out_specs=_row_spec,
        out_shape=_out_f32,
    )(agg2, hs2, degp, b2)


def kernel(x, adj_t, W1, b1, W2, b2):
    src = adj_t[0].astype(jnp.int32)
    dst = adj_t[1].astype(jnp.int32)
    pad = E_PAD - E
    srcp = jnp.concatenate([src, jnp.zeros((pad,), jnp.int32)])
    dstp = jnp.concatenate([dst, jnp.full((pad,), N, jnp.int32)])

    degp = _sc_degree(dstp)
    hs1 = _tc_pre(x, W1, degp)
    agg1 = _sc_aggregate(hs1, srcp, dstp)
    hs2 = _tc_mid(agg1, hs1, degp, b1.reshape(1, D), W2)
    agg2 = _sc_aggregate(hs2, srcp, dstp)
    return _tc_post(agg2, hs2, degp, b2.reshape(1, D))

# --- scband reference (transcript-rebuilt; emitter-appended) ---
"""Pipeline reference for scband-gcn-58901181497836 (READ-ONLY COPY).

The authoritative reference and input builder live on the scoring server;
editing this copy changes nothing except your own understanding.
"""

import jax, jax.numpy as jnp
import numpy as np

N_NODES = 10000
N_EDGES = 320000
D_IN = 128
D_HID = 128
D_OUT = 128


def setup_inputs(seed: int = 0) -> dict:
    key = jax.random.key(seed)
    k1, k2, k3, k4, k5, k6 = jax.random.split(key, 6)
    x = jax.random.normal(k1, (N_NODES, D_IN), dtype=jnp.float32)
    adj_t = jax.random.randint(k2, (2, N_EDGES), 0, N_NODES, dtype=jnp.int64)
    # GCNConv params (glorot-style scale)
    s1 = 1.0 / np.sqrt(D_IN)
    s2 = 1.0 / np.sqrt(D_HID)
    W1 = jax.random.uniform(k3, (D_IN, D_HID), dtype=jnp.float32, minval=-s1, maxval=s1)
    b1 = jnp.zeros((D_HID,), dtype=jnp.float32)
    W2 = jax.random.uniform(k4, (D_HID, D_OUT), dtype=jnp.float32, minval=-s2, maxval=s2)
    b2 = jnp.zeros((D_OUT,), dtype=jnp.float32)
    return {"x": x, "adj_t": adj_t, "W1": W1, "b1": b1, "W2": W2, "b2": b2}


def _gcn_conv(x, edge_index, W, b, num_nodes):
    # symmetric-normalized GCN conv with self-loops (PyG GCNConv defaults)
    loop = jnp.arange(num_nodes, dtype=edge_index.dtype)
    src = jnp.concatenate([edge_index[0], loop])
    dst = jnp.concatenate([edge_index[1], loop])
    w = jnp.ones(src.shape[0], dtype=x.dtype)
    deg = jnp.zeros((num_nodes,), dtype=x.dtype).at[dst].add(w)
    dinv = jnp.where(deg > 0, jax.lax.rsqrt(deg), 0.0)
    norm = dinv[src] * w * dinv[dst]
    h = x @ W
    msg = h[src] * norm[:, None]
    out = jnp.zeros((num_nodes, W.shape[1]), dtype=x.dtype).at[dst].add(msg)
    return out + b


def reference(x, adj_t, W1, b1, W2, b2):
    # eval mode: dropout is identity; batch_norm=False
    h = _gcn_conv(x, adj_t, W1, b1, N_NODES)
    h = jax.nn.relu(h)
    h = _gcn_conv(h, adj_t, W2, b2, N_NODES)
    return jax.nn.log_softmax(h, axis=-1)

if __name__ == "__main__":
    import jax
    _d = setup_inputs()
    print(jax.jit(kernel)(*tuple(_d.values())))

</pallas_src>

<mosaic_0001>
#map = affine_map<(d0, d1) -> (0, 0)>
#map1 = affine_map<(d0, d1) -> (0)>
#map2 = affine_map<(d0, d1) -> (0, 0, 0)>
module attributes {stable_mosaic.version = 14 : i64} {
  func.func @_sc_aggregate(%arg0: i32, %arg1: i32, %arg2: memref<10000x128xf32, #tpu.memory_space<hbm>>, %arg3: memref<323584xi32, #tpu.memory_space<hbm>>, %arg4: memref<323584xi32, #tpu.memory_space<hbm>>, %arg5: memref<2x10240x128xf32, #tpu.memory_space<hbm>>, %arg6: memref<128xi32, #tpu.memory_space<vmem>>, %arg7: memref<128xi32, #tpu.memory_space<vmem>>, %arg8: memref<128x128xf32, #tpu.memory_space<vmem>>, %arg9: memref<10240x128xf32, #tpu.memory_space<vmem_shared>>, %arg10: memref<!tpu.dma_semaphore, #tpu.memory_space<semaphore_mem>>) attributes {dimension_semantics = [#tpu.dimension_semantics<core_parallel>, #tpu.dimension_semantics<subcore_parallel>], iteration_bounds = array<i64: 2, 16>, scalar_prefetch = 0 : i64, scratch_operands = 5 : i64, tpu.core_type = #tpu.core_type<sc_vector_subcore>, window_params = [{transform_indices = #map}, {transform_indices = #map1}, {transform_indices = #map1}, {transform_indices = #map2}]} {
    %mul3A = arith.constant 16 : i32
    %mul3A_0 = arith.muli %arg0, %mul3A : i32
    %add3A = arith.addi %mul3A_0, %arg1 : i32
    %scan3A = arith.constant 0 : i32
    %scan3A_1 = arith.constant 128 : i32
    %scan3A_2 = arith.addi %scan3A, %scan3A_1 : i32
    %scan3A_3 = arith.constant 1 : i32
    scf.for %scan3A_20 = %scan3A to %scan3A_2 step %scan3A_3  : i32 {
      %mul3A_21 = arith.constant 1 : i32
      %mul3A_22 = arith.muli %scan3A_20, %mul3A_21 : i32
      %add3A_23 = arith.constant 0 : i32
      %add3A_24 = arith.addi %add3A_23, %mul3A_22 : i32
      %scan3A_25 = arith.constant 0 : i32
      %scan3A_26 = arith.constant 8 : i32
      %scan3A_27 = arith.addi %scan3A_25, %scan3A_26 : i32
      %scan3A_28 = arith.constant 1 : i32
      scf.for %scan3A_30 = %scan3A_25 to %scan3A_27 step %scan3A_28  : i32 {
        %mul3A_31 = arith.constant 1 : i32
        %mul3A_32 = arith.muli %scan3A_30, %mul3A_31 : i32
        %add3A_33 = arith.constant 0 : i32
        %add3A_34 = arith.addi %add3A_33, %mul3A_32 : i32
        %broadcast_in_dim3A = arith.constant 0.000000e+00 : f32
        %broadcast_in_dim3A_35 = vector.broadcast %broadcast_in_dim3A : f32 to vector<16xf32>
        %mul3A_36 = arith.constant 16 : i32
        %mul3A_37 = arith.muli %add3A_34, %mul3A_36 : i32
        %swap3A = arith.index_cast %add3A_24 : i32 to index
        %swap3A_38 = arith.index_cast %mul3A_37 : i32 to index
        %swap3A_39 = tpu.vector_load %arg8[%swap3A, %swap3A_38] {strides = array<i32>} : memref<128x128xf32, #tpu.memory_space<vmem>>, vector<1x16xf32>,
        %swap3A_40 = vector.shape_cast %swap3A_39 : vector<1x16xf32> to vector<16xf32>
        %swap3A_41 = vector.shape_cast %broadcast_in_dim3A_35 : vector<16xf32> to vector<1x16xf32>
        tpu.vector_store %arg8[%swap3A, %swap3A_38], %swap3A_41 {strides = array<i32>} : memref<128x128xf32, #tpu.memory_space<vmem>>, vector<1x16xf32>,
      }
      %scan3A_29 = arith.constant 8 : i32
    }
    %scan3A_4 = arith.constant 128 : i32
    %mul3A_5 = arith.constant 640 : i32
    %mul3A_6 = arith.muli %arg1, %mul3A_5 : i32
    %scan3A_7 = arith.constant 0 : i32
    %scan3A_8 = arith.constant 5 : i32
    %scan3A_9 = arith.addi %scan3A_7, %scan3A_8 : i32
    %scan3A_10 = arith.constant 1 : i32
    scf.for %scan3A_20 = %scan3A_7 to %scan3A_9 step %scan3A_10  : i32 {
      %mul3A_21 = arith.constant 1 : i32
      %mul3A_22 = arith.muli %scan3A_20, %mul3A_21 : i32
      %add3A_23 = arith.constant 0 : i32
      %add3A_24 = arith.addi %add3A_23, %mul3A_22 : i32
      %mul3A_25 = arith.constant 128 : i32
      %mul3A_26 = arith.muli %add3A_24, %mul3A_25 : i32
      %add3A_27 = arith.addi %mul3A_6, %mul3A_26 : i32
      "tpu.region"() ({
        %run_scoped3A = tpu.sem_alloc : memref<!tpu.dma_semaphore, #tpu.memory_space<semaphore_mem>>
        %dma_start3A = arith.constant 0 : i32
        %dma_start3A_28 = tpu.memref_slice %arg9[%add3A_27, %dma_start3A] : memref<10240x128xf32, #tpu.memory_space<vmem_shared>> -> memref<128x128xf32, #tpu.memory_space<vmem_shared>>
        %dma_start3A_29 = arith.constant 0 : i32
        %dma_start3A_30 = tpu.memref_slice %arg9[%add3A_27, %dma_start3A_29] : memref<10240x128xf32, #tpu.memory_space<vmem_shared>> -> memref<128x128xf32, #tpu.memory_space<vmem_shared>>
        tpu.enqueue_dma source(%arg8 : memref<128x128xf32, #tpu.memory_space<vmem>>) target(%dma_start3A_30 : memref<128x128xf32, #tpu.memory_space<vmem_shared>>) target_semaphore(%run_scoped3A : memref<!tpu.dma_semaphore, #tpu.memory_space<semaphore_mem>>)
        %dma_wait3A = arith.constant 0 : i32
        %dma_wait3A_31 = tpu.memref_slice %arg9[%add3A_27, %dma_wait3A] : memref<10240x128xf32, #tpu.memory_space<vmem_shared>> -> memref<128x128xf32, #tpu.memory_space<vmem_shared>>
        %dma_wait3A_32 = arith.constant 0 : i32
        %dma_wait3A_33 = tpu.memref_slice %arg9[%add3A_27, %dma_wait3A_32] : memref<10240x128xf32, #tpu.memory_space<vmem_shared>> -> memref<128x128xf32, #tpu.memory_space<vmem_shared>>
        tpu.wait_dma2 semaphore(%run_scoped3A : memref<!tpu.dma_semaphore, #tpu.memory_space<semaphore_mem>>) src(%arg8 : memref<128x128xf32, #tpu.memory_space<vmem>>) dst(%dma_wait3A_33 : memref<128x128xf32, #tpu.memory_space<vmem_shared>>)
        tpu.yield
      }) : () -> ()
    }
    %scan3A_11 = arith.constant 5 : i32
    %barrier3A = arith.constant 0 : index
    tpu.barrier barrier_id(%barrier3A)
    %mul3A_12 = arith.constant 10112 : i32
    %mul3A_13 = arith.muli %add3A, %mul3A_12 : i32
    %scan3A_14 = arith.constant 0 : i32
    %scan3A_15 = arith.constant 79 : i32
    %scan3A_16 = arith.addi %scan3A_14, %scan3A_15 : i32
    %scan3A_17 = arith.constant 1 : i32
    scf.for %scan3A_20 = %scan3A_14 to %scan3A_16 step %scan3A_17  : i32 {
      %mul3A_21 = arith.constant 1 : i32
      %mul3A_22 = arith.muli %scan3A_20, %mul3A_21 : i32
      %add3A_23 = arith.constant 0 : i32
      %add3A_24 = arith.addi %add3A_23, %mul3A_22 : i32
      %mul3A_25 = arith.constant 128 : i32
      %mul3A_26 = arith.muli %add3A_24, %mul3A_25 : i32
      %add3A_27 = arith.addi %mul3A_13, %mul3A_26 : i32
      "tpu.region"() ({
        %run_scoped3A = tpu.sem_alloc : memref<!tpu.dma_semaphore, #tpu.memory_space<semaphore_mem>>
        %dma_start3A_32 = tpu.memref_slice %arg3[%add3A_27] : memref<323584xi32, #tpu.memory_space<hbm>> -> memref<128xi32, #tpu.memory_space<hbm>>
        %dma_start3A_33 = tpu.memref_slice %arg3[%add3A_27] : memref<323584xi32, #tpu.memory_space<hbm>> -> memref<128xi32, #tpu.memory_space<hbm>>
        tpu.enqueue_dma source(%dma_start3A_33 : memref<128xi32, #tpu.memory_space<hbm>>) target(%arg6 : memref<128xi32, #tpu.memory_space<vmem>>) target_semaphore(%run_scoped3A : memref<!tpu.dma_semaphore, #tpu.memory_space<semaphore_mem>>)
        %dma_wait3A_34 = tpu.memref_slice %arg3[%add3A_27] : memref<323584xi32, #tpu.memory_space<hbm>> -> memref<128xi32, #tpu.memory_space<hbm>>
        %dma_wait3A_35 = tpu.memref_slice %arg3[%add3A_27] : memref<323584xi32, #tpu.memory_space<hbm>> -> memref<128xi32, #tpu.memory_space<hbm>>
        tpu.wait_dma2 semaphore(%run_scoped3A : memref<!tpu.dma_semaphore, #tpu.memory_space<semaphore_mem>>) src(%dma_wait3A_35 : memref<128xi32, #tpu.memory_space<hbm>>) dst(%arg6 : memref<128xi32, #tpu.memory_space<vmem>>)
        tpu.yield
      }) : () -> ()
      "tpu.region"() ({
        %run_scoped3A = tpu.sem_alloc : memref<!tpu.dma_semaphore, #tpu.memory_space<semaphore_mem>>
        %dma_start3A_32 = tpu.memref_slice %arg4[%add3A_27] : memref<323584xi32, #tpu.memory_space<hbm>> -> memref<128xi32, #tpu.memory_space<hbm>>
        %dma_start3A_33 = tpu.memref_slice %arg4[%add3A_27] : memref<323584xi32, #tpu.memory_space<hbm>> -> memref<128xi32, #tpu.memory_space<hbm>>
        tpu.enqueue_dma source(%dma_start3A_33 : memref<128xi32, #tpu.memory_space<hbm>>) target(%arg7 : memref<128xi32, #tpu.memory_space<vmem>>) target_semaphore(%run_scoped3A : memref<!tpu.dma_semaphore, #tpu.memory_space<semaphore_mem>>)
        %dma_wait3A_34 = tpu.memref_slice %arg4[%add3A_27] : memref<323584xi32, #tpu.memory_space<hbm>> -> memref<128xi32, #tpu.memory_space<hbm>>
        %dma_wait3A_35 = tpu.memref_slice %arg4[%add3A_27] : memref<323584xi32, #tpu.memory_space<hbm>> -> memref<128xi32, #tpu.memory_space<hbm>>
        tpu.wait_dma2 semaphore(%run_scoped3A : memref<!tpu.dma_semaphore, #tpu.memory_space<semaphore_mem>>) src(%dma_wait3A_35 : memref<128xi32, #tpu.memory_space<hbm>>) dst(%arg7 : memref<128xi32, #tpu.memory_space<vmem>>)
        tpu.yield
      }) : () -> ()
      %dma_start3A = arith.constant 0 : i32
      %dma_start3A_28 = arith.constant 0 : i32
      %dma_start3A_29 = tpu.memref_slice %arg2[%dma_start3A, %dma_start3A_28] : memref<10000x128xf32, #tpu.memory_space<hbm>> -> memref<10000x128xf32, #tpu.memory_space<hbm>>
      tpu.enqueue_indirect_dma source(%dma_start3A_29 : memref<10000x128xf32, #tpu.memory_space<hbm>>) target(%arg8 : memref<128x128xf32, #tpu.memory_space<vmem>>) offsets(%arg6 : memref<128xi32, #tpu.memory_space<vmem>>) semaphore(%arg10 : memref<!tpu.dma_semaphore, #tpu.memory_space<semaphore_mem>>)
      %dma_wait3A = arith.constant 0 : i32
      %dma_wait3A_30 = arith.constant 0 : i32
      %dma_wait3A_31 = tpu.memref_slice %arg2[%dma_wait3A, %dma_wait3A_30] : memref<10000x128xf32, #tpu.memory_space<hbm>> -> memref<10000x128xf32, #tpu.memory_space<hbm>>
      tpu.wait_indirect_dma semaphore(%arg10 : memref<!tpu.dma_semaphore, #tpu.memory_space<semaphore_mem>>) src(%dma_wait3A_31 : memref<10000x128xf32, #tpu.memory_space<hbm>>) dst(%arg8 : memref<128x128xf32, #tpu.memory_space<vmem>>)
      "tpu.region"() ({
        %run_scoped3A = tpu.sem_alloc : memref<!tpu.dma_semaphore, #tpu.memory_space<semaphore_mem>>
        %dma_start3A_32 = arith.constant 0 : i32
        %dma_start3A_33 = arith.constant 0 : i32
        %dma_start3A_34 = tpu.memref_slice %arg9[%dma_start3A_32, %dma_start3A_33] : memref<10240x128xf32, #tpu.memory_space<vmem_shared>> -> memref<10240x128xf32, #tpu.memory_space<vmem_shared>>
        tpu.enqueue_indirect_dma source(%arg8 : memref<128x128xf32, #tpu.memory_space<vmem>>) target(%dma_start3A_34 : memref<10240x128xf32, #tpu.memory_space<vmem_shared>>) offsets(%arg7 : memref<128xi32, #tpu.memory_space<vmem>>) semaphore(%run_scoped3A : memref<!tpu.dma_semaphore, #tpu.memory_space<semaphore_mem>>) {add = true}
        %dma_wait3A_35 = arith.constant 0 : i32
        %dma_wait3A_36 = arith.constant 0 : i32
        %dma_wait3A_37 = tpu.memref_slice %arg9[%dma_wait3A_35, %dma_wait3A_36] : memref<10240x128xf32, #tpu.memory_space<vmem_shared>> -> memref<10240x128xf32, #tpu.memory_space<vmem_shared>>
        tpu.wait_indirect_dma semaphore(%run_scoped3A : memref<!tpu.dma_semaphore, #tpu.memory_space<semaphore_mem>>) src(%arg8 : memref<128x128xf32, #tpu.memory_space<vmem>>) dst(%dma_wait3A_37 : memref<10240x128xf32, #tpu.memory_space<vmem_shared>>)
        tpu.yield
      }) : () -> ()
    }
    %scan3A_18 = arith.constant 79 : i32
    %barrier3A_19 = arith.constant 0 : index
    tpu.barrier barrier_id(%barrier3A_19)
    "tpu.region"() ({
      %run_scoped3A = tpu.sem_alloc : memref<!tpu.dma_semaphore, #tpu.memory_space<semaphore_mem>>
      %dma_start3A = arith.constant 0 : i32
      %dma_start3A_20 = tpu.memref_slice %arg5[%arg0, %mul3A_6, %dma_start3A] : memref<2x10240x128xf32, #tpu.memory_space<hbm>> -> memref<1x640x128xf32, #tpu.memory_space<hbm>>
      %dma_start3A_21 = tpu.memref_squeeze %dma_start3A_20 : memref<1x640x128xf32, #tpu.memory_space<hbm>> -> memref<640x128xf32, #tpu.memory_space<hbm>>
      %dma_start3A_22 = arith.constant 0 : i32
      %dma_start3A_23 = tpu.memref_slice %arg9[%mul3A_6, %dma_start3A_22] : memref<10240x128xf32, #tpu.memory_space<vmem_shared>> -> memref<640x128xf32, #tpu.memory_space<vmem_shared>>
      tpu.enqueue_dma source(%dma_start3A_23 : memref<640x128xf32, #tpu.memory_space<vmem_shared>>) target(%dma_start3A_21 : memref<640x128xf32, #tpu.memory_space<hbm>>) target_semaphore(%run_scoped3A : memref<!tpu.dma_semaphore, #tpu.memory_space<semaphore_mem>>)
      %dma_wait3A = arith.constant 0 : i32
      %dma_wait3A_24 = tpu.memref_slice %arg5[%arg0, %mul3A_6, %dma_wait3A] : memref<2x10240x128xf32, #tpu.memory_space<hbm>> -> memref<1x640x128xf32, #tpu.memory_space<hbm>>
      %dma_wait3A_25 = tpu.memref_squeeze %dma_wait3A_24 : memref<1x640x128xf32, #tpu.memory_space<hbm>> -> memref<640x128xf32, #tpu.memory_space<hbm>>
      %dma_wait3A_26 = arith.constant 0 : i32
      %dma_wait3A_27 = tpu.memref_slice %arg9[%mul3A_6, %dma_wait3A_26] : memref<10240x128xf32, #tpu.memory_space<vmem_shared>> -> memref<640x128xf32, #tpu.memory_space<vmem_shared>>
      tpu.wait_dma2 semaphore(%run_scoped3A : memref<!tpu.dma_semaphore, #tpu.memory_space<semaphore_mem>>) src(%dma_wait3A_27 : memref<640x128xf32, #tpu.memory_space<vmem_shared>>) dst(%dma_wait3A_25 : memref<640x128xf32, #tpu.memory_space<hbm>>)
      tpu.yield
    }) : () -> ()
    return
  }
}

#map = affine_map<(d0, d1) -> (0)>
#map1 = affine_map<(d0, d1) -> (0, 0, 0)>
module attributes {stable_mosaic.version = 14 : i64} {
  func.func @_sc_degree(%arg0: i32, %arg1: i32, %arg2: memref<323584xi32, #tpu.memory_space<hbm>>, %arg3: memref<2x10240x128xf32, #tpu.memory_space<hbm>>, %arg4: memref<128xi32, #tpu.memory_space<vmem>>, %arg5: memref<128x128xf32, #tpu.memory_space<vmem>>, %arg6: memref<10240x128xf32, #tpu.memory_space<vmem_shared>>) attributes {dimension_semantics = [#tpu.dimension_semantics<core_parallel>, #tpu.dimension_semantics<subcore_parallel>], iteration_bounds = array<i64: 2, 16>, scalar_prefetch = 0 : i64, scratch_operands = 3 : i64, tpu.core_type = #tpu.core_type<sc_vector_subcore>, window_params = [{transform_indices = #map}, {transform_indices = #map1}]} {
    %mul3A = arith.constant 16 : i32
    %mul3A_0 = arith.muli %arg0, %mul3A : i32
    %add3A = arith.addi %mul3A_0, %arg1 : i32
    %scan3A = arith.constant 0 : i32
    %scan3A_1 = arith.constant 128 : i32
    %scan3A_2 = arith.addi %scan3A, %scan3A_1 : i32
    %scan3A_3 = arith.constant 1 : i32
    scf.for %scan3A_25 = %scan3A to %scan3A_2 step %scan3A_3  : i32 {
      %mul3A_26 = arith.constant 1 : i32
      %mul3A_27 = arith.muli %scan3A_25, %mul3A_26 : i32
      %add3A_28 = arith.constant 0 : i32
      %add3A_29 = arith.addi %add3A_28, %mul3A_27 : i32
      %scan3A_30 = arith.constant 0 : i32
      %scan3A_31 = arith.constant 8 : i32
      %scan3A_32 = arith.addi %scan3A_30, %scan3A_31 : i32
      %scan3A_33 = arith.constant 1 : i32
      scf.for %scan3A_35 = %scan3A_30 to %scan3A_32 step %scan3A_33  : i32 {
        %mul3A_36 = arith.constant 1 : i32
        %mul3A_37 = arith.muli %scan3A_35, %mul3A_36 : i32
        %add3A_38 = arith.constant 0 : i32
        %add3A_39 = arith.addi %add3A_38, %mul3A_37 : i32
        %broadcast_in_dim3A = arith.constant 0.000000e+00 : f32
        %broadcast_in_dim3A_40 = vector.broadcast %broadcast_in_dim3A : f32 to vector<16xf32>
        %mul3A_41 = arith.constant 16 : i32
        %mul3A_42 = arith.muli %add3A_39, %mul3A_41 : i32
        %swap3A = arith.index_cast %add3A_29 : i32 to index
        %swap3A_43 = arith.index_cast %mul3A_42 : i32 to index
        %swap3A_44 = tpu.vector_load %arg5[%swap3A, %swap3A_43] {strides = array<i32>} : memref<128x128xf32, #tpu.memory_space<vmem>>, vector<1x16xf32>,
        %swap3A_45 = vector.shape_cast %swap3A_44 : vector<1x16xf32> to vector<16xf32>
        %swap3A_46 = vector.shape_cast %broadcast_in_dim3A_40 : vector<16xf32> to vector<1x16xf32>
        tpu.vector_store %arg5[%swap3A, %swap3A_43], %swap3A_46 {strides = array<i32>} : memref<128x128xf32, #tpu.memory_space<vmem>>, vector<1x16xf32>,
      }
      %scan3A_34 = arith.constant 8 : i32
    }
    %scan3A_4 = arith.constant 128 : i32
    %mul3A_5 = arith.constant 640 : i32
    %mul3A_6 = arith.muli %arg1, %mul3A_5 : i32
    %scan3A_7 = arith.constant 0 : i32
    %scan3A_8 = arith.constant 5 : i32
    %scan3A_9 = arith.addi %scan3A_7, %scan3A_8 : i32
    %scan3A_10 = arith.constant 1 : i32
    scf.for %scan3A_25 = %scan3A_7 to %scan3A_9 step %scan3A_10  : i32 {
      %mul3A_26 = arith.constant 1 : i32
      %mul3A_27 = arith.muli %scan3A_25, %mul3A_26 : i32
      %add3A_28 = arith.constant 0 : i32
      %add3A_29 = arith.addi %add3A_28, %mul3A_27 : i32
      %mul3A_30 = arith.constant 128 : i32
      %mul3A_31 = arith.muli %add3A_29, %mul3A_30 : i32
      %add3A_32 = arith.addi %mul3A_6, %mul3A_31 : i32
      "tpu.region"() ({
        %run_scoped3A = tpu.sem_alloc : memref<!tpu.dma_semaphore, #tpu.memory_space<semaphore_mem>>
        %dma_start3A = arith.constant 0 : i32
        %dma_start3A_33 = tpu.memref_slice %arg6[%add3A_32, %dma_start3A] : memref<10240x128xf32, #tpu.memory_space<vmem_shared>> -> memref<128x128xf32, #tpu.memory_space<vmem_shared>>
        %dma_start3A_34 = arith.constant 0 : i32
        %dma_start3A_35 = tpu.memref_slice %arg6[%add3A_32, %dma_start3A_34] : memref<10240x128xf32, #tpu.memory_space<vmem_shared>> -> memref<128x128xf32, #tpu.memory_space<vmem_shared>>
        tpu.enqueue_dma source(%arg5 : memref<128x128xf32, #tpu.memory_space<vmem>>) target(%dma_start3A_35 : memref<128x128xf32, #tpu.memory_space<vmem_shared>>) target_semaphore(%run_scoped3A : memref<!tpu.dma_semaphore, #tpu.memory_space<semaphore_mem>>)
        %dma_wait3A = arith.constant 0 : i32
        %dma_wait3A_36 = tpu.memref_slice %arg6[%add3A_32, %dma_wait3A] : memref<10240x128xf32, #tpu.memory_space<vmem_shared>> -> memref<128x128xf32, #tpu.memory_space<vmem_shared>>
        %dma_wait3A_37 = arith.constant 0 : i32
        %dma_wait3A_38 = tpu.memref_slice %arg6[%add3A_32, %dma_wait3A_37] : memref<10240x128xf32, #tpu.memory_space<vmem_shared>> -> memref<128x128xf32, #tpu.memory_space<vmem_shared>>
        tpu.wait_dma2 semaphore(%run_scoped3A : memref<!tpu.dma_semaphore, #tpu.memory_space<semaphore_mem>>) src(%arg5 : memref<128x128xf32, #tpu.memory_space<vmem>>) dst(%dma_wait3A_38 : memref<128x128xf32, #tpu.memory_space<vmem_shared>>)
        tpu.yield
      }) : () -> ()
    }
    %scan3A_11 = arith.constant 5 : i32
    %scan3A_12 = arith.constant 0 : i32
    %scan3A_13 = arith.constant 128 : i32
    %scan3A_14 = arith.addi %scan3A_12, %scan3A_13 : i32
    %scan3A_15 = arith.constant 1 : i32
    scf.for %scan3A_25 = %scan3A_12 to %scan3A_14 step %scan3A_15  : i32 {
      %mul3A_26 = arith.constant 1 : i32
      %mul3A_27 = arith.muli %scan3A_25, %mul3A_26 : i32
      %add3A_28 = arith.constant 0 : i32
      %add3A_29 = arith.addi %add3A_28, %mul3A_27 : i32
      %scan3A_30 = arith.constant 0 : i32
      %scan3A_31 = arith.constant 8 : i32
      %scan3A_32 = arith.addi %scan3A_30, %scan3A_31 : i32
      %scan3A_33 = arith.constant 1 : i32
      scf.for %scan3A_35 = %scan3A_30 to %scan3A_32 step %scan3A_33  : i32 {
        %mul3A_36 = arith.constant 1 : i32
        %mul3A_37 = arith.muli %scan3A_35, %mul3A_36 : i32
        %add3A_38 = arith.constant 0 : i32
        %add3A_39 = arith.addi %add3A_38, %mul3A_37 : i32
        %broadcast_in_dim3A = arith.constant 1.000000e+00 : f32
        %broadcast_in_dim3A_40 = vector.broadcast %broadcast_in_dim3A : f32 to vector<16xf32>
        %mul3A_41 = arith.constant 16 : i32
        %mul3A_42 = arith.muli %add3A_39, %mul3A_41 : i32
        %swap3A = arith.index_cast %add3A_29 : i32 to index
        %swap3A_43 = arith.index_cast %mul3A_42 : i32 to index
        %swap3A_44 = tpu.vector_load %arg5[%swap3A, %swap3A_43] {strides = array<i32>} : memref<128x128xf32, #tpu.memory_space<vmem>>, vector<1x16xf32>,
        %swap3A_45 = vector.shape_cast %swap3A_44 : vector<1x16xf32> to vector<16xf32>
        %swap3A_46 = vector.shape_cast %broadcast_in_dim3A_40 : vector<16xf32> to vector<1x16xf32>
        tpu.vector_store %arg5[%swap3A, %swap3A_43], %swap3A_46 {strides = array<i32>} : memref<128x128xf32, #tpu.memory_space<vmem>>, vector<1x16xf32>,
      }
      %scan3A_34 = arith.constant 8 : i32
    }
    %scan3A_16 = arith.constant 128 : i32
    %barrier3A = arith.constant 0 : index
    tpu.barrier barrier_id(%barrier3A)
    %mul3A_17 = arith.constant 10112 : i32
    %mul3A_18 = arith.muli %add3A, %mul3A_17 : i32
    %scan3A_19 = arith.constant 0 : i32
    %scan3A_20 = arith.constant 79 : i32
    %scan3A_21 = arith.addi %scan3A_19, %scan3A_20 : i32
    %scan3A_22 = arith.constant 1 : i32
    scf.for %scan3A_25 = %scan3A_19 to %scan3A_21 step %scan3A_22  : i32 {
      %mul3A_26 = arith.constant 1 : i32
      %mul3A_27 = arith.muli %scan3A_25, %mul3A_26 : i32
      %add3A_28 = arith.constant 0 : i32
      %add3A_29 = arith.addi %add3A_28, %mul3A_27 : i32
      %mul3A_30 = arith.constant 128 : i32
      %mul3A_31 = arith.muli %add3A_29, %mul3A_30 : i32
      %add3A_32 = arith.addi %mul3A_18, %mul3A_31 : i32
      "tpu.region"() ({
        %run_scoped3A = tpu.sem_alloc : memref<!tpu.dma_semaphore, #tpu.memory_space<semaphore_mem>>
        %dma_start3A = tpu.memref_slice %arg2[%add3A_32] : memref<323584xi32, #tpu.memory_space<hbm>> -> memref<128xi32, #tpu.memory_space<hbm>>
        %dma_start3A_33 = tpu.memref_slice %arg2[%add3A_32] : memref<323584xi32, #tpu.memory_space<hbm>> -> memref<128xi32, #tpu.memory_space<hbm>>
        tpu.enqueue_dma source(%dma_start3A_33 : memref<128xi32, #tpu.memory_space<hbm>>) target(%arg4 : memref<128xi32, #tpu.memory_space<vmem>>) target_semaphore(%run_scoped3A : memref<!tpu.dma_semaphore, #tpu.memory_space<semaphore_mem>>)
        %dma_wait3A = tpu.memref_slice %arg2[%add3A_32] : memref<323584xi32, #tpu.memory_space<hbm>> -> memref<128xi32, #tpu.memory_space<hbm>>
        %dma_wait3A_34 = tpu.memref_slice %arg2[%add3A_32] : memref<323584xi32, #tpu.memory_space<hbm>> -> memref<128xi32, #tpu.memory_space<hbm>>
        tpu.wait_dma2 semaphore(%run_scoped3A : memref<!tpu.dma_semaphore, #tpu.memory_space<semaphore_mem>>) src(%dma_wait3A_34 : memref<128xi32, #tpu.memory_space<hbm>>) dst(%arg4 : memref<128xi32, #tpu.memory_space<vmem>>)
        tpu.yield
      }) : () -> ()
      "tpu.region"() ({
        %run_scoped3A = tpu.sem_alloc : memref<!tpu.dma_semaphore, #tpu.memory_space<semaphore_mem>>
        %dma_start3A = arith.constant 0 : i32
        %dma_start3A_33 = arith.constant 0 : i32
        %dma_start3A_34 = tpu.memref_slice %arg6[%dma_start3A, %dma_start3A_33] : memref<10240x128xf32, #tpu.memory_space<vmem_shared>> -> memref<10240x128xf32, #tpu.memory_space<vmem_shared>>
        tpu.enqueue_indirect_dma source(%arg5 : memref<128x128xf32, #tpu.memory_space<vmem>>) target(%dma_start3A_34 : memref<10240x128xf32, #tpu.memory_space<vmem_shared>>) offsets(%arg4 : memref<128xi32, #tpu.memory_space<vmem>>) semaphore(%run_scoped3A : memref<!tpu.dma_semaphore, #tpu.memory_space<semaphore_mem>>) {add = true}
        %dma_wait3A = arith.constant 0 : i32
        %dma_wait3A_35 = arith.constant 0 : i32
        %dma_wait3A_36 = tpu.memref_slice %arg6[%dma_wait3A, %dma_wait3A_35] : memref<10240x128xf32, #tpu.memory_space<vmem_shared>> -> memref<10240x128xf32, #tpu.memory_space<vmem_shared>>
        tpu.wait_indirect_dma semaphore(%run_scoped3A : memref<!tpu.dma_semaphore, #tpu.memory_space<semaphore_mem>>) src(%arg5 : memref<128x128xf32, #tpu.memory_space<vmem>>) dst(%dma_wait3A_36 : memref<10240x128xf32, #tpu.memory_space<vmem_shared>>)
        tpu.yield
      }) : () -> ()
    }
    %scan3A_23 = arith.constant 79 : i32
    %barrier3A_24 = arith.constant 0 : index
    tpu.barrier barrier_id(%barrier3A_24)
    "tpu.region"() ({
      %run_scoped3A = tpu.sem_alloc : memref<!tpu.dma_semaphore, #tpu.memory_space<semaphore_mem>>
      %dma_start3A = arith.constant 0 : i32
      %dma_start3A_25 = tpu.memref_slice %arg3[%arg0, %mul3A_6, %dma_start3A] : memref<2x10240x128xf32, #tpu.memory_space<hbm>> -> memref<1x640x128xf32, #tpu.memory_space<hbm>>
      %dma_start3A_26 = tpu.memref_squeeze %dma_start3A_25 : memref<1x640x128xf32, #tpu.memory_space<hbm>> -> memref<640x128xf32, #tpu.memory_space<hbm>>
      %dma_start3A_27 = arith.constant 0 : i32
      %dma_start3A_28 = tpu.memref_slice %arg6[%mul3A_6, %dma_start3A_27] : memref<10240x128xf32, #tpu.memory_space<vmem_shared>> -> memref<640x128xf32, #tpu.memory_space<vmem_shared>>
      tpu.enqueue_dma source(%dma_start3A_28 : memref<640x128xf32, #tpu.memory_space<vmem_shared>>) target(%dma_start3A_26 : memref<640x128xf32, #tpu.memory_space<hbm>>) target_semaphore(%run_scoped3A : memref<!tpu.dma_semaphore, #tpu.memory_space<semaphore_mem>>)
      %dma_wait3A = arith.constant 0 : i32
      %dma_wait3A_29 = tpu.memref_slice %arg3[%arg0, %mul3A_6, %dma_wait3A] : memref<2x10240x128xf32, #tpu.memory_space<hbm>> -> memref<1x640x128xf32, #tpu.memory_space<hbm>>
      %dma_wait3A_30 = tpu.memref_squeeze %dma_wait3A_29 : memref<1x640x128xf32, #tpu.memory_space<hbm>> -> memref<640x128xf32, #tpu.memory_space<hbm>>
      %dma_wait3A_31 = arith.constant 0 : i32
      %dma_wait3A_32 = tpu.memref_slice %arg6[%mul3A_6, %dma_wait3A_31] : memref<10240x128xf32, #tpu.memory_space<vmem_shared>> -> memref<640x128xf32, #tpu.memory_space<vmem_shared>>
      tpu.wait_dma2 semaphore(%run_scoped3A : memref<!tpu.dma_semaphore, #tpu.memory_space<semaphore_mem>>) src(%dma_wait3A_32 : memref<640x128xf32, #tpu.memory_space<vmem_shared>>) dst(%dma_wait3A_30 : memref<640x128xf32, #tpu.memory_space<hbm>>)
      tpu.yield
    }) : () -> ()
    return
  }
}

#map = affine_map<(d0, d1) -> (0, 0)>
#map1 = affine_map<(d0, d1) -> (0)>
#map2 = affine_map<(d0, d1) -> (0, 0, 0)>
module attributes {stable_mosaic.version = 14 : i64} {
  func.func @_sc_aggregate(%arg0: i32, %arg1: i32, %arg2: memref<10000x128xf32, #tpu.memory_space<hbm>>, %arg3: memref<323584xi32, #tpu.memory_space<hbm>>, %arg4: memref<323584xi32, #tpu.memory_space<hbm>>, %arg5: memref<2x10240x128xf32, #tpu.memory_space<hbm>>, %arg6: memref<128xi32, #tpu.memory_space<vmem>>, %arg7: memref<128xi32, #tpu.memory_space<vmem>>, %arg8: memref<128x128xf32, #tpu.memory_space<vmem>>, %arg9: memref<10240x128xf32, #tpu.memory_space<vmem_shared>>, %arg10: memref<!tpu.dma_semaphore, #tpu.memory_space<semaphore_mem>>) attributes {dimension_semantics = [#tpu.dimension_semantics<core_parallel>, #tpu.dimension_semantics<subcore_parallel>], iteration_bounds = array<i64: 2, 16>, scalar_prefetch = 0 : i64, scratch_operands = 5 : i64, tpu.core_type = #tpu.core_type<sc_vector_subcore>, window_params = [{transform_indices = #map}, {transform_indices = #map1}, {transform_indices = #map1}, {transform_indices = #map2}]} {
    %mul3A = arith.constant 16 : i32
    %mul3A_0 = arith.muli %arg0, %mul3A : i32
    %add3A = arith.addi %mul3A_0, %arg1 : i32
    %scan3A = arith.constant 0 : i32
    %scan3A_1 = arith.constant 128 : i32
    %scan3A_2 = arith.addi %scan3A, %scan3A_1 : i32
    %scan3A_3 = arith.constant 1 : i32
    scf.for %scan3A_20 = %scan3A to %scan3A_2 step %scan3A_3  : i32 {
      %mul3A_21 = arith.constant 1 : i32
      %mul3A_22 = arith.muli %scan3A_20, %mul3A_21 : i32
      %add3A_23 = arith.constant 0 : i32
      %add3A_24 = arith.addi %add3A_23, %mul3A_22 : i32
      %scan3A_25 = arith.constant 0 : i32
      %scan3A_26 = arith.constant 8 : i32
      %scan3A_27 = arith.addi %scan3A_25, %scan3A_26 : i32
      %scan3A_28 = arith.constant 1 : i32
      scf.for %scan3A_30 = %scan3A_25 to %scan3A_27 step %scan3A_28  : i32 {
        %mul3A_31 = arith.constant 1 : i32
        %mul3A_32 = arith.muli %scan3A_30, %mul3A_31 : i32
        %add3A_33 = arith.constant 0 : i32
        %add3A_34 = arith.addi %add3A_33, %mul3A_32 : i32
        %broadcast_in_dim3A = arith.constant 0.000000e+00 : f32
        %broadcast_in_dim3A_35 = vector.broadcast %broadcast_in_dim3A : f32 to vector<16xf32>
        %mul3A_36 = arith.constant 16 : i32
        %mul3A_37 = arith.muli %add3A_34, %mul3A_36 : i32
        %swap3A = arith.index_cast %add3A_24 : i32 to index
        %swap3A_38 = arith.index_cast %mul3A_37 : i32 to index
        %swap3A_39 = tpu.vector_load %arg8[%swap3A, %swap3A_38] {strides = array<i32>} : memref<128x128xf32, #tpu.memory_space<vmem>>, vector<1x16xf32>,
        %swap3A_40 = vector.shape_cast %swap3A_39 : vector<1x16xf32> to vector<16xf32>
        %swap3A_41 = vector.shape_cast %broadcast_in_dim3A_35 : vector<16xf32> to vector<1x16xf32>
        tpu.vector_store %arg8[%swap3A, %swap3A_38], %swap3A_41 {strides = array<i32>} : memref<128x128xf32, #tpu.memory_space<vmem>>, vector<1x16xf32>,
      }
      %scan3A_29 = arith.constant 8 : i32
    }
    %scan3A_4 = arith.constant 128 : i32
    %mul3A_5 = arith.constant 640 : i32
    %mul3A_6 = arith.muli %arg1, %mul3A_5 : i32
    %scan3A_7 = arith.constant 0 : i32
    %scan3A_8 = arith.constant 5 : i32
    %scan3A_9 = arith.addi %scan3A_7, %scan3A_8 : i32
    %scan3A_10 = arith.constant 1 : i32
    scf.for %scan3A_20 = %scan3A_7 to %scan3A_9 step %scan3A_10  : i32 {
      %mul3A_21 = arith.constant 1 : i32
      %mul3A_22 = arith.muli %scan3A_20, %mul3A_21 : i32
      %add3A_23 = arith.constant 0 : i32
      %add3A_24 = arith.addi %add3A_23, %mul3A_22 : i32
      %mul3A_25 = arith.constant 128 : i32
      %mul3A_26 = arith.muli %add3A_24, %mul3A_25 : i32
      %add3A_27 = arith.addi %mul3A_6, %mul3A_26 : i32
      "tpu.region"() ({
        %run_scoped3A = tpu.sem_alloc : memref<!tpu.dma_semaphore, #tpu.memory_space<semaphore_mem>>
        %dma_start3A = arith.constant 0 : i32
        %dma_start3A_28 = tpu.memref_slice %arg9[%add3A_27, %dma_start3A] : memref<10240x128xf32, #tpu.memory_space<vmem_shared>> -> memref<128x128xf32, #tpu.memory_space<vmem_shared>>
        %dma_start3A_29 = arith.constant 0 : i32
        %dma_start3A_30 = tpu.memref_slice %arg9[%add3A_27, %dma_start3A_29] : memref<10240x128xf32, #tpu.memory_space<vmem_shared>> -> memref<128x128xf32, #tpu.memory_space<vmem_shared>>
        tpu.enqueue_dma source(%arg8 : memref<128x128xf32, #tpu.memory_space<vmem>>) target(%dma_start3A_30 : memref<128x128xf32, #tpu.memory_space<vmem_shared>>) target_semaphore(%run_scoped3A : memref<!tpu.dma_semaphore, #tpu.memory_space<semaphore_mem>>)
        %dma_wait3A = arith.constant 0 : i32
        %dma_wait3A_31 = tpu.memref_slice %arg9[%add3A_27, %dma_wait3A] : memref<10240x128xf32, #tpu.memory_space<vmem_shared>> -> memref<128x128xf32, #tpu.memory_space<vmem_shared>>
        %dma_wait3A_32 = arith.constant 0 : i32
        %dma_wait3A_33 = tpu.memref_slice %arg9[%add3A_27, %dma_wait3A_32] : memref<10240x128xf32, #tpu.memory_space<vmem_shared>> -> memref<128x128xf32, #tpu.memory_space<vmem_shared>>
        tpu.wait_dma2 semaphore(%run_scoped3A : memref<!tpu.dma_semaphore, #tpu.memory_space<semaphore_mem>>) src(%arg8 : memref<128x128xf32, #tpu.memory_space<vmem>>) dst(%dma_wait3A_33 : memref<128x128xf32, #tpu.memory_space<vmem_shared>>)
        tpu.yield
      }) : () -> ()
    }
    %scan3A_11 = arith.constant 5 : i32
    %barrier3A = arith.constant 0 : index
    tpu.barrier barrier_id(%barrier3A)
    %mul3A_12 = arith.constant 10112 : i32
    %mul3A_13 = arith.muli %add3A, %mul3A_12 : i32
    %scan3A_14 = arith.constant 0 : i32
    %scan3A_15 = arith.constant 79 : i32
    %scan3A_16 = arith.addi %scan3A_14, %scan3A_15 : i32
    %scan3A_17 = arith.constant 1 : i32
    scf.for %scan3A_20 = %scan3A_14 to %scan3A_16 step %scan3A_17  : i32 {
      %mul3A_21 = arith.constant 1 : i32
      %mul3A_22 = arith.muli %scan3A_20, %mul3A_21 : i32
      %add3A_23 = arith.constant 0 : i32
      %add3A_24 = arith.addi %add3A_23, %mul3A_22 : i32
      %mul3A_25 = arith.constant 128 : i32
      %mul3A_26 = arith.muli %add3A_24, %mul3A_25 : i32
      %add3A_27 = arith.addi %mul3A_13, %mul3A_26 : i32
      "tpu.region"() ({
        %run_scoped3A = tpu.sem_alloc : memref<!tpu.dma_semaphore, #tpu.memory_space<semaphore_mem>>
        %dma_start3A_32 = tpu.memref_slice %arg3[%add3A_27] : memref<323584xi32, #tpu.memory_space<hbm>> -> memref<128xi32, #tpu.memory_space<hbm>>
        %dma_start3A_33 = tpu.memref_slice %arg3[%add3A_27] : memref<323584xi32, #tpu.memory_space<hbm>> -> memref<128xi32, #tpu.memory_space<hbm>>
        tpu.enqueue_dma source(%dma_start3A_33 : memref<128xi32, #tpu.memory_space<hbm>>) target(%arg6 : memref<128xi32, #tpu.memory_space<vmem>>) target_semaphore(%run_scoped3A : memref<!tpu.dma_semaphore, #tpu.memory_space<semaphore_mem>>)
        %dma_wait3A_34 = tpu.memref_slice %arg3[%add3A_27] : memref<323584xi32, #tpu.memory_space<hbm>> -> memref<128xi32, #tpu.memory_space<hbm>>
        %dma_wait3A_35 = tpu.memref_slice %arg3[%add3A_27] : memref<323584xi32, #tpu.memory_space<hbm>> -> memref<128xi32, #tpu.memory_space<hbm>>
        tpu.wait_dma2 semaphore(%run_scoped3A : memref<!tpu.dma_semaphore, #tpu.memory_space<semaphore_mem>>) src(%dma_wait3A_35 : memref<128xi32, #tpu.memory_space<hbm>>) dst(%arg6 : memref<128xi32, #tpu.memory_space<vmem>>)
        tpu.yield
      }) : () -> ()
      "tpu.region"() ({
        %run_scoped3A = tpu.sem_alloc : memref<!tpu.dma_semaphore, #tpu.memory_space<semaphore_mem>>
        %dma_start3A_32 = tpu.memref_slice %arg4[%add3A_27] : memref<323584xi32, #tpu.memory_space<hbm>> -> memref<128xi32, #tpu.memory_space<hbm>>
        %dma_start3A_33 = tpu.memref_slice %arg4[%add3A_27] : memref<323584xi32, #tpu.memory_space<hbm>> -> memref<128xi32, #tpu.memory_space<hbm>>
        tpu.enqueue_dma source(%dma_start3A_33 : memref<128xi32, #tpu.memory_space<hbm>>) target(%arg7 : memref<128xi32, #tpu.memory_space<vmem>>) target_semaphore(%run_scoped3A : memref<!tpu.dma_semaphore, #tpu.memory_space<semaphore_mem>>)
        %dma_wait3A_34 = tpu.memref_slice %arg4[%add3A_27] : memref<323584xi32, #tpu.memory_space<hbm>> -> memref<128xi32, #tpu.memory_space<hbm>>
        %dma_wait3A_35 = tpu.memref_slice %arg4[%add3A_27] : memref<323584xi32, #tpu.memory_space<hbm>> -> memref<128xi32, #tpu.memory_space<hbm>>
        tpu.wait_dma2 semaphore(%run_scoped3A : memref<!tpu.dma_semaphore, #tpu.memory_space<semaphore_mem>>) src(%dma_wait3A_35 : memref<128xi32, #tpu.memory_space<hbm>>) dst(%arg7 : memref<128xi32, #tpu.memory_space<vmem>>)
        tpu.yield
      }) : () -> ()
      %dma_start3A = arith.constant 0 : i32
      %dma_start3A_28 = arith.constant 0 : i32
      %dma_start3A_29 = tpu.memref_slice %arg2[%dma_start3A, %dma_start3A_28] : memref<10000x128xf32, #tpu.memory_space<hbm>> -> memref<10000x128xf32, #tpu.memory_space<hbm>>
      tpu.enqueue_indirect_dma source(%dma_start3A_29 : memref<10000x128xf32, #tpu.memory_space<hbm>>) target(%arg8 : memref<128x128xf32, #tpu.memory_space<vmem>>) offsets(%arg6 : memref<128xi32, #tpu.memory_space<vmem>>) semaphore(%arg10 : memref<!tpu.dma_semaphore, #tpu.memory_space<semaphore_mem>>)
      %dma_wait3A = arith.constant 0 : i32
      %dma_wait3A_30 = arith.constant 0 : i32
      %dma_wait3A_31 = tpu.memref_slice %arg2[%dma_wait3A, %dma_wait3A_30] : memref<10000x128xf32, #tpu.memory_space<hbm>> -> memref<10000x128xf32, #tpu.memory_space<hbm>>
      tpu.wait_indirect_dma semaphore(%arg10 : memref<!tpu.dma_semaphore, #tpu.memory_space<semaphore_mem>>) src(%dma_wait3A_31 : memref<10000x128xf32, #tpu.memory_space<hbm>>) dst(%arg8 : memref<128x128xf32, #tpu.memory_space<vmem>>)
      "tpu.region"() ({
        %run_scoped3A = tpu.sem_alloc : memref<!tpu.dma_semaphore, #tpu.memory_space<semaphore_mem>>
        %dma_start3A_32 = arith.constant 0 : i32
        %dma_start3A_33 = arith.constant 0 : i32
        %dma_start3A_34 = tpu.memref_slice %arg9[%dma_start3A_32, %dma_start3A_33] : memref<10240x128xf32, #tpu.memory_space<vmem_shared>> -> memref<10240x128xf32, #tpu.memory_space<vmem_shared>>
        tpu.enqueue_indirect_dma source(%arg8 : memref<128x128xf32, #tpu.memory_space<vmem>>) target(%dma_start3A_34 : memref<10240x128xf32, #tpu.memory_space<vmem_shared>>) offsets(%arg7 : memref<128xi32, #tpu.memory_space<vmem>>) semaphore(%run_scoped3A : memref<!tpu.dma_semaphore, #tpu.memory_space<semaphore_mem>>) {add = true}
        %dma_wait3A_35 = arith.constant 0 : i32
        %dma_wait3A_36 = arith.constant 0 : i32
        %dma_wait3A_37 = tpu.memref_slice %arg9[%dma_wait3A_35, %dma_wait3A_36] : memref<10240x128xf32, #tpu.memory_space<vmem_shared>> -> memref<10240x128xf32, #tpu.memory_space<vmem_shared>>
        tpu.wait_indirect_dma semaphore(%run_scoped3A : memref<!tpu.dma_semaphore, #tpu.memory_space<semaphore_mem>>) src(%arg8 : memref<128x128xf32, #tpu.memory_space<vmem>>) dst(%dma_wait3A_37 : memref<10240x128xf32, #tpu.memory_space<vmem_shared>>)
        tpu.yield
      }) : () -> ()
    }
    %scan3A_18 = arith.constant 79 : i32
    %barrier3A_19 = arith.constant 0 : index
    tpu.barrier barrier_id(%barrier3A_19)
    "tpu.region"() ({
      %run_scoped3A = tpu.sem_alloc : memref<!tpu.dma_semaphore, #tpu.memory_space<semaphore_mem>>
      %dma_start3A = arith.constant 0 : i32
      %dma_start3A_20 = tpu.memref_slice %arg5[%arg0, %mul3A_6, %dma_start3A] : memref<2x10240x128xf32, #tpu.memory_space<hbm>> -> memref<1x640x128xf32, #tpu.memory_space<hbm>>
      %dma_start3A_21 = tpu.memref_squeeze %dma_start3A_20 : memref<1x640x128xf32, #tpu.memory_space<hbm>> -> memref<640x128xf32, #tpu.memory_space<hbm>>
      %dma_start3A_22 = arith.constant 0 : i32
      %dma_start3A_23 = tpu.memref_slice %arg9[%mul3A_6, %dma_start3A_22] : memref<10240x128xf32, #tpu.memory_space<vmem_shared>> -> memref<640x128xf32, #tpu.memory_space<vmem_shared>>
      tpu.enqueue_dma source(%dma_start3A_23 : memref<640x128xf32, #tpu.memory_space<vmem_shared>>) target(%dma_start3A_21 : memref<640x128xf32, #tpu.memory_space<hbm>>) target_semaphore(%run_scoped3A : memref<!tpu.dma_semaphore, #tpu.memory_space<semaphore_mem>>)
      %dma_wait3A = arith.constant 0 : i32
      %dma_wait3A_24 = tpu.memref_slice %arg5[%arg0, %mul3A_6, %dma_wait3A] : memref<2x10240x128xf32, #tpu.memory_space<hbm>> -> memref<1x640x128xf32, #tpu.memory_space<hbm>>
      %dma_wait3A_25 = tpu.memref_squeeze %dma_wait3A_24 : memref<1x640x128xf32, #tpu.memory_space<hbm>> -> memref<640x128xf32, #tpu.memory_space<hbm>>
      %dma_wait3A_26 = arith.constant 0 : i32
      %dma_wait3A_27 = tpu.memref_slice %arg9[%mul3A_6, %dma_wait3A_26] : memref<10240x128xf32, #tpu.memory_space<vmem_shared>> -> memref<640x128xf32, #tpu.memory_space<vmem_shared>>
      tpu.wait_dma2 semaphore(%run_scoped3A : memref<!tpu.dma_semaphore, #tpu.memory_space<semaphore_mem>>) src(%dma_wait3A_27 : memref<640x128xf32, #tpu.memory_space<vmem_shared>>) dst(%dma_wait3A_25 : memref<640x128xf32, #tpu.memory_space<hbm>>)
      tpu.yield
    }) : () -> ()
    return
  }
}

module attributes {stable_mosaic.version = 14 : i64} {
  func.func @_tc_mid_body(%arg0: i32, %arg1: memref<2x1000x128xf32, #tpu.memory_space<vmem>>, %arg2: memref<1000x128xf32, #tpu.memory_space<vmem>>, %arg3: memref<2x1000x128xf32, #tpu.memory_space<vmem>>, %arg4: memref<1x128xf32, #tpu.memory_space<vmem>>, %arg5: memref<128x128xf32, #tpu.memory_space<vmem>>, %arg6: memref<1000x128xf32, #tpu.memory_space<vmem>>) attributes {dimension_semantics = [#tpu.dimension_semantics<arbitrary>], iteration_bounds = array<i64: 10>, scalar_prefetch = 0 : i64, scratch_operands = 0 : i64, tpu.core_type = #tpu.core_type<tc>, window_params = [{transform_indices = @transform_0, window_bounds = array<i64: 2, 1000, 128>}, {transform_indices = @transform_1, window_bounds = array<i64: 1000, 128>}, {transform_indices = @transform_2, window_bounds = array<i64: 2, 1000, 128>}, {pipeline_mode = #tpu.pipeline_mode<synchronous>, transform_indices = @transform_3, window_bounds = array<i64: 1, 128>}, {pipeline_mode = #tpu.pipeline_mode<synchronous>, transform_indices = @transform_4, window_bounds = array<i64: 128, 128>}, {transform_indices = @transform_5, window_bounds = array<i64: 1000, 128>}]} {
    %get3A = arith.constant 0 : index
    %get3A_0 = arith.constant 0 : index
    %get3A_1 = arith.constant 0 : index
    %get3A_2 = vector.load %arg3[%get3A, %get3A_0, %get3A_1] : memref<2x1000x128xf32, #tpu.memory_space<vmem>>, vector<1x1000x1xf32>
    %get3A_3 = vector.shape_cast %get3A_2 : vector<1x1000x1xf32> to vector<1000x1xf32>
    %get3A_4 = arith.constant 1 : index
    %get3A_5 = arith.constant 0 : index
    %get3A_6 = arith.constant 0 : index
    %get3A_7 = vector.load %arg3[%get3A_4, %get3A_5, %get3A_6] : memref<2x1000x128xf32, #tpu.memory_space<vmem>>, vector<1x1000x1xf32>
    %get3A_8 = vector.shape_cast %get3A_7 : vector<1x1000x1xf32> to vector<1000x1xf32>
    %add3A = arith.addf %get3A_3, %get3A_8 : vector<1000x1xf32>
    %add3A_9 = arith.constant 1.000000e+00 : f32
    %add3A_10 = vector.broadcast %add3A_9 : f32 to vector<1000x1xf32>
    %add3A_11 = arith.addf %add3A, %add3A_10 : vector<1000x1xf32>
    %rsqrt3A = math.rsqrt %add3A_11 : vector<1000x1xf32>
    %get3A_12 = arith.constant 0 : index
    %get3A_13 = arith.constant 0 : index
    %get3A_14 = arith.constant 0 : index
    %get3A_15 = vector.load %arg1[%get3A_12, %get3A_13, %get3A_14] : memref<2x1000x128xf32, #tpu.memory_space<vmem>>, vector<1x1000x128xf32>
    %get3A_16 = vector.shape_cast %get3A_15 : vector<1x1000x128xf32> to vector<1000x128xf32>
    %get3A_17 = arith.constant 1 : index
    %get3A_18 = arith.constant 0 : index
    %get3A_19 = arith.constant 0 : index
    %get3A_20 = vector.load %arg1[%get3A_17, %get3A_18, %get3A_19] : memref<2x1000x128xf32, #tpu.memory_space<vmem>>, vector<1x1000x128xf32>
    %get3A_21 = vector.shape_cast %get3A_20 : vector<1x1000x128xf32> to vector<1000x128xf32>
    %add3A_22 = arith.addf %get3A_16, %get3A_21 : vector<1000x128xf32>
    %get3A_23 = arith.constant 0 : index
    %get3A_24 = arith.constant 0 : index
    %get3A_25 = vector.load %arg2[%get3A_23, %get3A_24] : memref<1000x128xf32, #tpu.memory_space<vmem>>, vector<1000x128xf32>
    %add3A_26 = arith.addf %add3A_22, %get3A_25 : vector<1000x128xf32>
    %mul3A = vector.broadcast %rsqrt3A : vector<1000x1xf32> to vector<1000x128xf32>
    %mul3A_27 = arith.mulf %add3A_26, %mul3A : vector<1000x128xf32>
    %get3A_28 = arith.constant 0 : index
    %get3A_29 = arith.constant 0 : index
    %get3A_30 = vector.load %arg4[%get3A_28, %get3A_29] : memref<1x128xf32, #tpu.memory_space<vmem>>, vector<1x128xf32>
    %add3A_31 = vector.broadcast %get3A_30 : vector<1x128xf32> to vector<1000x128xf32>
    %add3A_32 = arith.addf %mul3A_27, %add3A_31 : vector<1000x128xf32>
    %max3A = arith.constant 0.000000e+00 : f32
    %max3A_33 = vector.broadcast %max3A : f32 to vector<1000x128xf32>
    %max3A_34 = arith.maximumf %add3A_32, %max3A_33 : vector<1000x128xf32>
    %get3A_35 = arith.constant 0 : index
    %get3A_36 = arith.constant 0 : index
    %get3A_37 = vector.load %arg5[%get3A_35, %get3A_36] : memref<128x128xf32, #tpu.memory_space<vmem>>, vector<128x128xf32>
    %dot_general3A = arith.constant dense<0.000000e+00> : vector<1000x128xf32>
    %dot_general3A_38 = tpu.matmul %max3A_34, %get3A_37, %dot_general3A {dimension_numbers = #tpu.dot_dimension_numbers<[1], [0], [0], [1], [0, 0, 1, 1], [], []>, transpose_lhs_hint = false} : vector<1000x128xf32>, vector<128x128xf32>, vector<1000x128xf32> -> vector<1000x128xf32>
    %mul3A_39 = vector.broadcast %rsqrt3A : vector<1000x1xf32> to vector<1000x128xf32>
    %mul3A_40 = arith.mulf %dot_general3A_38, %mul3A_39 : vector<1000x128xf32>
    %swap3A = arith.constant 0 : index
    %swap3A_41 = arith.constant 0 : index
    %swap3A_42 = vector.load %arg6[%swap3A, %swap3A_41] : memref<1000x128xf32, #tpu.memory_space<vmem>>, vector<1000x128xf32>
    tpu.vector_store %arg6[%swap3A, %swap3A_41], %mul3A_40 {strides = array<i32>} : memref<1000x128xf32, #tpu.memory_space<vmem>>, vector<1000x128xf32>,
    return
  }
  func.func @transform_0(%arg0: i32) -> (i32, i32, i32) {
    %c0_i32 = arith.constant 0 : i32
    %c0_i32_0 = arith.constant 0 : i32
    %c0_i32_1 = arith.constant 0 : i32
    return %c0_i32, %arg0, %c0_i32_0 : i32, i32, i32
  }
  func.func @transform_1(%arg0: i32) -> (i32, i32) {
    %c0_i32 = arith.constant 0 : i32
    %c0_i32_0 = arith.constant 0 : i32
    return %arg0, %c0_i32 : i32, i32
  }
  func.func @transform_2(%arg0: i32) -> (i32, i32, i32) {
    %c0_i32 = arith.constant 0 : i32
    %c0_i32_0 = arith.constant 0 : i32
    %c0_i32_1 = arith.constant 0 : i32
    return %c0_i32, %arg0, %c0_i32_0 : i32, i32, i32
  }
  func.func @transform_3(%arg0: i32) -> (i32, i32) {
    %c0_i32 = arith.constant 0 : i32
    %c0_i32_0 = arith.constant 0 : i32
    %c0_i32_1 = arith.constant 0 : i32
    return %c0_i32, %c0_i32_0 : i32, i32
  }
  func.func @transform_4(%arg0: i32) -> (i32, i32) {
    %c0_i32 = arith.constant 0 : i32
    %c0_i32_0 = arith.constant 0 : i32
    %c0_i32_1 = arith.constant 0 : i32
    return %c0_i32, %c0_i32_0 : i32, i32
  }
  func.func @transform_5(%arg0: i32) -> (i32, i32) {
    %c0_i32 = arith.constant 0 : i32
    %c0_i32_0 = arith.constant 0 : i32
    return %arg0, %c0_i32 : i32, i32
  }
}

module attributes {stable_mosaic.version = 14 : i64} {
  func.func @_tc_pre_body(%arg0: i32, %arg1: memref<1000x128xf32, #tpu.memory_space<vmem>>, %arg2: memref<128x128xf32, #tpu.memory_space<vmem>>, %arg3: memref<2x1000x128xf32, #tpu.memory_space<vmem>>, %arg4: memref<1000x128xf32, #tpu.memory_space<vmem>>) attributes {dimension_semantics = [#tpu.dimension_semantics<arbitrary>], iteration_bounds = array<i64: 10>, scalar_prefetch = 0 : i64, scratch_operands = 0 : i64, tpu.core_type = #tpu.core_type<tc>, window_params = [{transform_indices = @transform_0, window_bounds = array<i64: 1000, 128>}, {pipeline_mode = #tpu.pipeline_mode<synchronous>, transform_indices = @transform_1, window_bounds = array<i64: 128, 128>}, {transform_indices = @transform_2, window_bounds = array<i64: 2, 1000, 128>}, {transform_indices = @transform_3, window_bounds = array<i64: 1000, 128>}]} {
    %get3A = arith.constant 0 : index
    %get3A_0 = arith.constant 0 : index
    %get3A_1 = vector.load %arg1[%get3A, %get3A_0] : memref<1000x128xf32, #tpu.memory_space<vmem>>, vector<1000x128xf32>
    %get3A_2 = arith.constant 0 : index
    %get3A_3 = arith.constant 0 : index
    %get3A_4 = vector.load %arg2[%get3A_2, %get3A_3] : memref<128x128xf32, #tpu.memory_space<vmem>>, vector<128x128xf32>
    %dot_general3A = arith.constant dense<0.000000e+00> : vector<1000x128xf32>
    %dot_general3A_5 = tpu.matmul %get3A_1, %get3A_4, %dot_general3A {dimension_numbers = #tpu.dot_dimension_numbers<[1], [0], [0], [1], [0, 0, 1, 1], [], []>, transpose_lhs_hint = false} : vector<1000x128xf32>, vector<128x128xf32>, vector<1000x128xf32> -> vector<1000x128xf32>
    %get3A_6 = arith.constant 0 : index
    %get3A_7 = arith.constant 0 : index
    %get3A_8 = arith.constant 0 : index
    %get3A_9 = vector.load %arg3[%get3A_6, %get3A_7, %get3A_8] : memref<2x1000x128xf32, #tpu.memory_space<vmem>>, vector<1x1000x1xf32>
    %get3A_10 = vector.shape_cast %get3A_9 : vector<1x1000x1xf32> to vector<1000x1xf32>
    %get3A_11 = arith.constant 1 : index
    %get3A_12 = arith.constant 0 : index
    %get3A_13 = arith.constant 0 : index
    %get3A_14 = vector.load %arg3[%get3A_11, %get3A_12, %get3A_13] : memref<2x1000x128xf32, #tpu.memory_space<vmem>>, vector<1x1000x1xf32>
    %get3A_15 = vector.shape_cast %get3A_14 : vector<1x1000x1xf32> to vector<1000x1xf32>
    %add3A = arith.addf %get3A_10, %get3A_15 : vector<1000x1xf32>
    %add3A_16 = arith.constant 1.000000e+00 : f32
    %add3A_17 = vector.broadcast %add3A_16 : f32 to vector<1000x1xf32>
    %add3A_18 = arith.addf %add3A, %add3A_17 : vector<1000x1xf32>
    %rsqrt3A = math.rsqrt %add3A_18 : vector<1000x1xf32>
    %mul3A = vector.broadcast %rsqrt3A : vector<1000x1xf32> to vector<1000x128xf32>
    %mul3A_19 = arith.mulf %dot_general3A_5, %mul3A : vector<1000x128xf32>
    %swap3A = arith.constant 0 : index
    %swap3A_20 = arith.constant 0 : index
    %swap3A_21 = vector.load %arg4[%swap3A, %swap3A_20] : memref<1000x128xf32, #tpu.memory_space<vmem>>, vector<1000x128xf32>
    tpu.vector_store %arg4[%swap3A, %swap3A_20], %mul3A_19 {strides = array<i32>} : memref<1000x128xf32, #tpu.memory_space<vmem>>, vector<1000x128xf32>,
    return
  }
  func.func @transform_0(%arg0: i32) -> (i32, i32) {
    %c0_i32 = arith.constant 0 : i32
    %c0_i32_0 = arith.constant 0 : i32
    return %arg0, %c0_i32 : i32, i32
  }
  func.func @transform_1(%arg0: i32) -> (i32, i32) {
    %c0_i32 = arith.constant 0 : i32
    %c0_i32_0 = arith.constant 0 : i32
    %c0_i32_1 = arith.constant 0 : i32
    return %c0_i32, %c0_i32_0 : i32, i32
  }
  func.func @transform_2(%arg0: i32) -> (i32, i32, i32) {
    %c0_i32 = arith.constant 0 : i32
    %c0_i32_0 = arith.constant 0 : i32
    %c0_i32_1 = arith.constant 0 : i32
    return %c0_i32, %arg0, %c0_i32_0 : i32, i32, i32
  }
  func.func @transform_3(%arg0: i32) -> (i32, i32) {
    %c0_i32 = arith.constant 0 : i32
    %c0_i32_0 = arith.constant 0 : i32
    return %arg0, %c0_i32 : i32, i32
  }
}

module attributes {stable_mosaic.version = 14 : i64} {
  func.func @_tc_post_body(%arg0: i32, %arg1: memref<2x1000x128xf32, #tpu.memory_space<vmem>>, %arg2: memref<1000x128xf32, #tpu.memory_space<vmem>>, %arg3: memref<2x1000x128xf32, #tpu.memory_space<vmem>>, %arg4: memref<1x128xf32, #tpu.memory_space<vmem>>, %arg5: memref<1000x128xf32, #tpu.memory_space<vmem>>) attributes {dimension_semantics = [#tpu.dimension_semantics<arbitrary>], iteration_bounds = array<i64: 10>, scalar_prefetch = 0 : i64, scratch_operands = 0 : i64, tpu.core_type = #tpu.core_type<tc>, window_params = [{transform_indices = @transform_0, window_bounds = array<i64: 2, 1000, 128>}, {transform_indices = @transform_1, window_bounds = array<i64: 1000, 128>}, {transform_indices = @transform_2, window_bounds = array<i64: 2, 1000, 128>}, {pipeline_mode = #tpu.pipeline_mode<synchronous>, transform_indices = @transform_3, window_bounds = array<i64: 1, 128>}, {transform_indices = @transform_4, window_bounds = array<i64: 1000, 128>}]} {
    %get3A = arith.constant 0 : index
    %get3A_0 = arith.constant 0 : index
    %get3A_1 = arith.constant 0 : index
    %get3A_2 = vector.load %arg3[%get3A, %get3A_0, %get3A_1] : memref<2x1000x128xf32, #tpu.memory_space<vmem>>, vector<1x1000x1xf32>
    %get3A_3 = vector.shape_cast %get3A_2 : vector<1x1000x1xf32> to vector<1000x1xf32>
    %get3A_4 = arith.constant 1 : index
    %get3A_5 = arith.constant 0 : index
    %get3A_6 = arith.constant 0 : index
    %get3A_7 = vector.load %arg3[%get3A_4, %get3A_5, %get3A_6] : memref<2x1000x128xf32, #tpu.memory_space<vmem>>, vector<1x1000x1xf32>
    %get3A_8 = vector.shape_cast %get3A_7 : vector<1x1000x1xf32> to vector<1000x1xf32>
    %add3A = arith.addf %get3A_3, %get3A_8 : vector<1000x1xf32>
    %add3A_9 = arith.constant 1.000000e+00 : f32
    %add3A_10 = vector.broadcast %add3A_9 : f32 to vector<1000x1xf32>
    %add3A_11 = arith.addf %add3A, %add3A_10 : vector<1000x1xf32>
    %rsqrt3A = math.rsqrt %add3A_11 : vector<1000x1xf32>
    %get3A_12 = arith.constant 0 : index
    %get3A_13 = arith.constant 0 : index
    %get3A_14 = arith.constant 0 : index
    %get3A_15 = vector.load %arg1[%get3A_12, %get3A_13, %get3A_14] : memref<2x1000x128xf32, #tpu.memory_space<vmem>>, vector<1x1000x128xf32>
    %get3A_16 = vector.shape_cast %get3A_15 : vector<1x1000x128xf32> to vector<1000x128xf32>
    %get3A_17 = arith.constant 1 : index
    %get3A_18 = arith.constant 0 : index
    %get3A_19 = arith.constant 0 : index
    %get3A_20 = vector.load %arg1[%get3A_17, %get3A_18, %get3A_19] : memref<2x1000x128xf32, #tpu.memory_space<vmem>>, vector<1x1000x128xf32>
    %get3A_21 = vector.shape_cast %get3A_20 : vector<1x1000x128xf32> to vector<1000x128xf32>
    %add3A_22 = arith.addf %get3A_16, %get3A_21 : vector<1000x128xf32>
    %get3A_23 = arith.constant 0 : index
    %get3A_24 = arith.constant 0 : index
    %get3A_25 = vector.load %arg2[%get3A_23, %get3A_24] : memref<1000x128xf32, #tpu.memory_space<vmem>>, vector<1000x128xf32>
    %add3A_26 = arith.addf %add3A_22, %get3A_25 : vector<1000x128xf32>
    %mul3A = vector.broadcast %rsqrt3A : vector<1000x1xf32> to vector<1000x128xf32>
    %mul3A_27 = arith.mulf %add3A_26, %mul3A : vector<1000x128xf32>
    %get3A_28 = arith.constant 0 : index
    %get3A_29 = arith.constant 0 : index
    %get3A_30 = vector.load %arg4[%get3A_28, %get3A_29] : memref<1x128xf32, #tpu.memory_space<vmem>>, vector<1x128xf32>
    %add3A_31 = vector.broadcast %get3A_30 : vector<1x128xf32> to vector<1000x128xf32>
    %add3A_32 = arith.addf %mul3A_27, %add3A_31 : vector<1000x128xf32>
    %reduce_max3A = arith.constant dense<0xFF800000> : vector<1000xf32>
    %reduce_max3A_33 = vector.multi_reduction <maximumf>, %add3A_32, %reduce_max3A [1] : vector<1000x128xf32> to vector<1000xf32>
    %broadcast_in_dim3A = vector.shape_cast %reduce_max3A_33 : vector<1000xf32> to vector<1000x1xf32>
    %sub3A = vector.broadcast %broadcast_in_dim3A : vector<1000x1xf32> to vector<1000x128xf32>
    %sub3A_34 = arith.subf %add3A_32, %sub3A : vector<1000x128xf32>
    %exp3A = math.exp %sub3A_34 : vector<1000x128xf32>
    %reduce_sum3A = arith.constant dense<0.000000e+00> : vector<1000xf32>
    %reduce_sum3A_35 = vector.multi_reduction <add>, %exp3A, %reduce_sum3A [1] : vector<1000x128xf32> to vector<1000xf32>
    %broadcast_in_dim3A_36 = vector.shape_cast %reduce_sum3A_35 : vector<1000xf32> to vector<1000x1xf32>
    %log3A = math.log %broadcast_in_dim3A_36 : vector<1000x1xf32>
    %add3A_37 = arith.addf %broadcast_in_dim3A, %log3A : vector<1000x1xf32>
    %sub3A_38 = vector.broadcast %add3A_37 : vector<1000x1xf32> to vector<1000x128xf32>
    %sub3A_39 = arith.subf %add3A_32, %sub3A_38 : vector<1000x128xf32>
    %swap3A = arith.constant 0 : index
    %swap3A_40 = arith.constant 0 : index
    %swap3A_41 = vector.load %arg5[%swap3A, %swap3A_40] : memref<1000x128xf32, #tpu.memory_space<vmem>>, vector<1000x128xf32>
    tpu.vector_store %arg5[%swap3A, %swap3A_40], %sub3A_39 {strides = array<i32>} : memref<1000x128xf32, #tpu.memory_space<vmem>>, vector<1000x128xf32>,
    return
  }
  func.func @transform_0(%arg0: i32) -> (i32, i32, i32) {
    %c0_i32 = arith.constant 0 : i32
    %c0_i32_0 = arith.constant 0 : i32
    %c0_i32_1 = arith.constant 0 : i32
    return %c0_i32, %arg0, %c0_i32_0 : i32, i32, i32
  }
  func.func @transform_1(%arg0: i32) -> (i32, i32) {
    %c0_i32 = arith.constant 0 : i32
    %c0_i32_0 = arith.constant 0 : i32
    return %arg0, %c0_i32 : i32, i32
  }
  func.func @transform_2(%arg0: i32) -> (i32, i32, i32) {
    %c0_i32 = arith.constant 0 : i32
    %c0_i32_0 = arith.constant 0 : i32
    %c0_i32_1 = arith.constant 0 : i32
    return %c0_i32, %arg0, %c0_i32_0 : i32, i32, i32
  }
  func.func @transform_3(%arg0: i32) -> (i32, i32) {
    %c0_i32 = arith.constant 0 : i32
    %c0_i32_0 = arith.constant 0 : i32
    %c0_i32_1 = arith.constant 0 : i32
    return %c0_i32, %c0_i32_0 : i32, i32
  }
  func.func @transform_4(%arg0: i32) -> (i32, i32) {
    %c0_i32 = arith.constant 0 : i32
    %c0_i32_0 = arith.constant 0 : i32
    return %arg0, %c0_i32 : i32, i32
  }
}

</mosaic_0001>

<sc_bundles>
// kernel: kernel.11.cloned.1.call-start
scs
__scs_entry_jumppad:
0x0: {  	(pc) =	sbr.rel $0x88, $3  }
0x1: {  	(tag) =	ssettag $0x0;
	lr =	simm.s32 $0x1  }
0x2: {  	[smem:$0x3F9B] =	sst lr;
	_ =	strace $0xD0000000  }
0x3: {  	_ = 	snop  }
0x4: {  	_ = 	snop  }
0x5: {  	_ = 	snop  }
0x6: {  	_ = 	snop  }
0x7: {  	_ = 	snop  }
__scs_overlays_trampoline_lowered:
0x8: {  	[smem:$0x3FAA] =	sst s0  }
0x9: {  	[smem:$0x3FAB] =	sst s1  }
0xa: {  	[smem:$0x3FAC] =	sst s2  }
0xb: {  	[smem:$0x3FAD] =	sst s3  }
0xc: {  	[smem:$0x3FAE] =	sst s4  }
0xd: {  	[smem:$0x3FAF] =	sst s5  }
0xe: {  	[smem:$0x3FB0] =	sst s6  }
0xf: {  	[smem:$0x3FB1] =	sst s7  }
0x10: {  	[smem:$0x3FB2] =	sst s8  }
0x11: {  	[smem:$0x3FB3] =	sst s9;
	s0 =	simm.s32 @!p0 $0x0  }
0x12: {  	s1 =	sld [smem:$0x3F99];
	s0 =	simm.s32 @p0 $0x1  }
0x13: {  	[smem:$0x3FB4] =	sst s0;
	s0 =	simm.s32 @!p1 $0x0  }
0x14: {  	s2 =	sld [smem:$0x3F98];
	s0 =	simm.s32 @p1 $0x1  }
0x15: {  	[smem:$0x3FB5] =	sst s0;
	s0 =	simm.s32 @!p2 $0x0  }
0x16: {  	s3 =	sld [smem:$0x3FDB];
	s0 =	simm.s32 @p2 $0x1  }
0x17: {  	s4 =	simm.s32 $0x1BF5;
	[smem:$0x3FB7] =	sst s0  }
0x18: {  	s0 =	sld [smem:$0x3F9A];
	_ =	swait.ge [sflag:s4], $0x0  }
0x19: {  	s7 =	sld [smem:$0x3F9B]  }
0x1a: {  	s8 =	sadd.s32 $0xFFFFE003, lr  }
0x1b: {  	s9 =	sadd.s32 $0xFFFFFEF7, lr;
	s5 =	simm.s32 $0xFFFFFFFF;
	p2 =	slt.u32 s8, $0xFFFFF086  }
0x1c: {  	p1 =	slt.u32 s9, $0xF7A;
	s5 =	simm.s32 @!p2 $0x0  }
0x1d: {  	s5 =	simm.s32 @p1 $0x1;
	p0 =	seq.s32 s7, s2  }
0x1e: {  	s7 =	smul.u32 @!p0 $0xF7A, s2;
	p2 =	seq.s32 @!p0 s5, $0x0  }
0x1f: {  	s9 =	smul.u32 $0xF7A, s1;
	s8 =	simm.s32 @!p0 $0x1BF5;
	p2 =	por !p2, p0  }
0x20: {  	[sflag:s8] =	ssyncset.s32 @!p0 $0xFFFFF086;
	s6 =	sadd.s32 @!p0 s3, s7;
	s7 =	simm.s32 @!p0 $0x108  }
0x21: {  	s3 =	sadd.s32 s3, s9;
	s6 =	sadd.s32 @!p0 $0x88, s6;
	s7 =	simm.s32 @p2 $0x1082  }
0x22: {  	[simem:s7], [sflag:s8] =	dma.local @!p0 [hbm:s6], $0xF7A  }
0x23: {  	s9 =	sor.u32 $0xD0000000, s2;
	s6 =	simm.s32 $0x108;
	_ =	swait.ge @!p0 [sflag:s8], $0x0  }
0x24: {  	s3 =	sadd.s32 $0x88, s3;
	s6 =	simm.s32 @!p1 $0x1082;
	[sflag:s4] =	ssyncset.s32 $0xFFFFF086  }
0x25: {  	[simem:s6], [sflag:s4] =	dma.local [hbm:s3], $0xF7A  }
0x26: {  	[smem:$0x3F9B] =	sst s1;
	(tag) =	ssettag s2;
	_ =	strace s9  }
0x27: {  	s1 =	sld [smem:$0x3FAB]  }
0x28: {  	s2 =	sld [smem:$0x3FAC]  }
0x29: {  	s4 =	sld [smem:$0x3FAE]  }
0x2a: {  	p0 =	seq.s32 s5, $0x0;
	s5 =	sld [smem:$0x3FAF]  }
0x2b: {  	s6 =	sld [smem:$0x3FB0]  }
0x2c: {  	s7 =	sld [smem:$0x3FB1]  }
0x2d: {  	s3 =	simm.s32 $0x108;
	s8 =	sld [smem:$0x3FB2]  }
0x2e: {  	s3 =	simm.s32 @!p0 $0x1082;
	s9 =	sld [smem:$0x3FB3]  }
0x2f: {  	lr =	sadd.s32 s0, s3;
	s0 =	sld [smem:$0x3FAA]  }
0x30: {  	s3 =	sld [smem:$0x3FAD]  }
0x31: {  	[smem:$0x3FB6] =	sst s10  }
0x32: {  	s10 =	sld [smem:$0x3FB4];
	_ =	sdelay $0x3  }
0x33: {  	p0 =	seq.s32 s10, $0x1;
	s10 =	sld [smem:$0x3FB6];
	_ =	sdelay $0x3  }
0x34: {  	[smem:$0x3FB6] =	sst s10  }
0x35: {  	s10 =	sld [smem:$0x3FB5];
	_ =	sdelay $0x3  }
0x36: {  	p1 =	seq.s32 s10, $0x1;
	s10 =	sld [smem:$0x3FB6];
	_ =	sdelay $0x3  }
0x37: {  	[smem:$0x3FB6] =	sst s10  }
0x38: {  	s10 =	sld [smem:$0x3FB7]  }
0x39: {  	_ = 	snop;
	(pc) =	sbr.ind lr, $3  }
0x3a: {  	_ = 	snop  }
0x3b: {  	_ = 	snop  }
0x3c: {  	p2 =	seq.s32 s10, $0x1;
	s10 =	sld [smem:$0x3FB6]  }
0x3d: {  	_ =	shalt  }
0x3e: {  	_ =	shalt  }
0x3f: {  	_ =	shalt  }
0x40: {  	_ =	shalt  }
0x41: {  	_ =	shalt  }
0x42: {  	_ =	shalt  }
0x43: {  	_ =	shalt  }
0x44: {  	_ =	shalt  }
0x45: {  	_ =	shalt  }
0x46: {  	_ =	shalt  }
0x47: {  	_ =	shalt  }
0x48: {  	_ =	shalt  }
0x49: {  	_ =	shalt  }
0x4a: {  	_ =	shalt  }
0x4b: {  	_ =	shalt  }
0x4c: {  	_ =	shalt  }
0x4d: {  	_ =	shalt  }
0x4e: {  	_ =	shalt  }
0x4f: {  	_ =	shalt  }
0x50: {  	_ =	shalt  }
0x51: {  	_ =	shalt  }
0x52: {  	_ =	shalt  }
0x53: {  	_ =	shalt  }
0x54: {  	_ =	shalt  }
0x55: {  	_ =	shalt  }
0x56: {  	_ =	shalt  }
0x57: {  	_ =	shalt  }
0x58: {  	_ =	shalt  }
0x59: {  	_ =	shalt  }
0x5a: {  	_ =	shalt  }
0x5b: {  	_ =	shalt  }
0x5c: {  	_ =	shalt  }
0x5d: {  	_ =	shalt  }
0x5e: {  	_ =	shalt  }
0x5f: {  	_ =	shalt  }
0x60: {  	_ =	shalt  }
0x61: {  	_ =	shalt  }
0x62: {  	_ =	shalt  }
0x63: {  	_ =	shalt  }
0x64: {  	_ =	shalt  }
0x65: {  	_ =	shalt  }
0x66: {  	_ =	shalt  }
0x67: {  	_ =	shalt  }
0x68: {  	_ =	shalt  }
0x69: {  	_ =	shalt  }
0x6a: {  	_ =	shalt  }
0x6b: {  	_ =	shalt  }
0x6c: {  	_ =	shalt  }
0x6d: {  	_ =	shalt  }
0x6e: {  	_ =	shalt  }
0x6f: {  	_ =	shalt  }
0x70: {  	_ =	shalt  }
0x71: {  	_ =	shalt  }
0x72: {  	_ =	shalt  }
0x73: {  	_ =	shalt  }
0x74: {  	_ =	shalt  }
0x75: {  	_ =	shalt  }
0x76: {  	_ =	shalt  }
0x77: {  	_ =	shalt  }
0x78: {  	_ =	shalt  }
0x79: {  	_ =	shalt  }
0x7a: {  	_ =	shalt  }
0x7b: {  	_ =	shalt  }
0x7c: {  	_ =	shalt  }
0x7d: {  	_ =	shalt  }
0x7e: {  	_ =	shalt  }
0x7f: {  	_ =	shalt  }
0x80: {  	_ =	shalt  }
0x81: {  	_ =	shalt  }
0x82: {  	_ =	shalt  }
0x83: {  	_ =	shalt  }
0x84: {  	_ =	shalt  }
0x85: {  	_ =	shalt  }
0x86: {  	_ =	shalt  }
0x87: {  	_ =	shalt  }
.Lfunc_end0:
.L_simem_size_0:
called_computation.1_lowered:
.L_overlay_start_0:
0x88: {  	s2 =	sld [smem:$0x3FD9]  }
0x89: {  	s3 =	sld [smem:$0x3FFE];
	_ =	sdelay $0x1  }
0x8a: {  	s1 =	srdreg.scid  }
0x8b: {  	s0 =	sand.u32 $0x1, s1  }
0x8c: {  	s17 =	sshll.u32 s0, $0xA;
	s2 =	sadd.s32 s3, s2  }
0x8d: {  	s2 =	sadd.s32 s2, s17  }
0x8e: {  	[smem:$0x3FC2] =	sst s2  }
0x8f: {  	_ = 	snop  }
0x90: {  	s2 =	sld [smem:$0x3FD0];
	(tm) =	ssettm $0x1  }
0x91: {  	s18 =	sld [smem:$0x3FFB];
	_ =	sdelay $0x3  }
0x92: {  	_ =	strace s18  }
0x93: {  	s3 =	sld [smem:$0x3FFC];
	_ =	sdelay $0x3  }
0x94: {  	_ =	strace s3  }
0x95: {  	s3 =	sld [smem:$0x3FFD];
	_ =	sdelay $0x3  }
0x96: {  	_ =	strace s3  }
0x97: {  	_ =	strace $0x8FFFFFFF  }
0x98: {  	s19 =	sld [smem:$0x3FDB];
	_ =	sdelay $0x1  }
0x99: {  	s4 =	simm.s32 $_scs_section_size  }
0x9a: {  	s5 =	simm.s32 $_size__tile_overlayer_lowered;
	s6 =	simm.s32 $_tile_overlayer_lowered  }
0x9b: {  	s22 =	simm.s32 $0x1BFF;
	s21 =	sshll.u32 s6, $0x1;
	s3 =	sadd.s32 s4, s19  }
0x9c: {  	s7 =	simm.s32 $0x0;
	s20 =	sshll.u32 s5, $0x1;
	s5 =	sadd.s32 s21, s3  }
0x9d: {  	[timem:s7], [sflag:s22] =	dma.local [hbm:s5], s20  }
0x9e: {  	_ =	swait.ge [sflag:s22], s20  }
0x9f: {  	s4 =	ssub.s32 $0x0, s20;
	[sflag:s22] =	ssyncset.done $0x0  }
0xa0: {  	[sflag:s22] =	ssyncadd.s32 s4;
	_ =	sdelay $0x1  }
0xa1: {  	s23 =	simm.s32 $0x1B8B  }
0xa2: {  	_ =	swait.ge [sflag:s23], $0x1  }
0xa3: {  	[sflag:s23] =	ssyncset.done $0x0  }
0xa4: {  	s25 =	simm.s32 $0x1B8E;
	s24 =	sld [smem:$0x3FFE];
	[sflag:s23] =	ssyncadd.s32 $0xFFFFFFFF  }
0xa5: {  	s26 =	simm.s32 $execute0_lowered;
	[smem:$0x3FD2] =	sst s25  }
0xa6: {  	s5 =	sshll.u32 s26, $0x1;
	_ =	strace $0x80000049;
	[dreg:$0x1] =	wrdreg $0xFFFFFFFF  }
0xa7: {  	s28 =	simm.s32 $_size_execute0_lowered;
	s3 =	sadd.s32 s3, s5;
	[dreg:$0x0] =	wrdreg $0x0  }
0xa8: {  	s5 =	sshll.u32 s28, $0x1;
	[dreg:$0x2] =	wrdreg s3  }
0xa9: {  	[dreg:$0x3] =	wrdreg s5  }
0xaa: {  	[dreg:$0x4] =	wrdreg $0xC0  }
0xab: {  	_ =	task [dreg:s7], $0x5FFFF  }
0xac: {  	[dreg:$0x1] =	wrdreg $0xFFFFFFFF  }
0xad: {  	[dreg:$0x0] =	wrdreg $0x60  }
0xae: {  	[dreg:$0x2] =	wrdreg s2  }
0xaf: {  	[dreg:$0x3] =	wrdreg s24  }
0xb0: {  	[dreg:$0x4] =	wrdreg $0x41000  }
0xb1: {  	[dreg:$0x5] =	wrdreg $0x9  }
0xb2: {  	_ =	task.clear_ibuf [dreg:s7], $0x6FFFF;
	_ =	strace $0x90000049  }
0xb3: {  	s29 =	simm.s32 $0x9;
	_ =	strace $0x8000004B  }
0xb4: {  	_ =	swait.ge [sflag:s29], $0x1  }
0xb5: {  	[sflag:s29] =	ssyncadd.s32 $0xFFFFFFFF  }
0xb6: {  	_ =	strace $0x9000004B  }
0xb7: {  	_ =	sfence  }
0xb8: {  	s30 =	sld [smem:$0x0];
	_ =	sdelay $0x2  }
0xb9: {  	s31 =	sshll.u32 s1, $0xD;
	s1 =	sshrl.u32 s1, $0x2  }
0xba: {  	s3 =	sand.u32 $0x4000, s31;
	s1 =	sadd.s32 s1, s30  }
0xbb: {  	s0 =	sor.u32 s3, s0;
	s1 =	sshll.u32 s1, $0x11  }
0xbc: {  	s0 =	sor.u32 s1, s0  }
0xbd: {  	s0 =	sadd.s32 $0x8F2B, s0  }
0xbe: {  	[sflag:s0] =	ssyncadd.remote.s32 $0x1  }
0xbf: {  	_ =	sfence.sel $0xFFFF  }
0xc0: {  	[dreg:$0x0] =	wrdreg $0xFFFFFFFF;
	(pc) =	sbr.abs _section_cstart, $3  }
0xc1: {  	[dreg:$0x1] =	wrdreg $0xFFFFFFFF  }
0xc2: {  	_ =	task.clear_ibuf [dreg:s7], $0x2FFFF;
	_ =	strace $0x9FFFFFFF  }
0xc3: {  	(tm) =	ssettm $0x7FFFFFFF  }
tec
execute0_lowered:
.L_overlay_start_1:
0x0: {  	(tag) =	ssettag $0x1  }
0x1: {  	s0 =	rddreg [dreg:$0x0]  }
0x2: {  	s5 =	rddreg [dreg:$0x1];
	s1 =	srdreg.scid  }
0x3: {  	s3 =	rddreg [dreg:$0x2];
	s2 =	stileid.u32  }
0x4: {  	s4 =	simm.s32 $0x0;
	s14 =	simm.s32 $0x100;
	s15 =	simm.s32 $0x2  }
0x5: {  	s16 =	simm.s32 $0x80;
	s17 =	simm.s32 $0x1;
	s8 =	smul.u32 $0x14000, s2  }
0x6: {  	s6 =	sand.u32 $0x1, s1;
	s1 =	rddreg [dreg:$0x3];
	s28 =	smul.u32 $0x50000, s2  }
0x7: {  	s20 =	simm.s32 $0x0;
	[smem:$0x7FF] =	sst s4;
	s11 =	smul.u32 $0x4F0, s2  }
0x8: {  	s18 =	sshll.u32 s2, $0x6;
	s7 =	smul.u32 $0x140000, s6;
	_ =	strace $0x8000004A  }
0x9: {  	s9 =	smul.u32 $0x4F00, s6;
	s6 =	ssub.s32 $0x2, s6;
	s18 =	sor.u32 $0x1C02, s18  }
0xa: {  	s29 =	sshrl.u32 s6, $0x1;
	s31 =	sshrl.u32 s28, $0x2;
	s7 =	sadd.s32 s8, s7  }
0xb: {  	s10 =	sadd.s32 s9, s5;
	s30 =	ssub.s32 s6, s29;
	s7 =	sshrl.u32 s7, $0x3  }
0xc: {  	s13 =	sadd.s32 s11, s10;
	s7 =	sadd.s32 s7, s5;
	s5 =	sadd.s32 s31, s3  }
0xd: {  	s12 =	sadd.s32 $0x2200, s13;
	s13 =	sadd.s32 $0x5C000, s13;
	s6 =	sadd.s32 $0x65E00, s7  }
0xe: {  	s7 =	smax.u32 s30, $0x1;
	s8 =	sadd.s32 $0x4000, s5;
	s9 =	sadd.s32 $0x8000, s5  }
0xf: {  	v0 =	vimm.f32 $0.0e+00;
	s10 =	sadd.s32 $0xC000, s5;
	s11 =	sadd.s32 $0x10000, s5;
	s19 =	sshrl.u32 s5, $0x3  }
.LBB2_1:
0x10: {  	s21 =	simm.s32 $0x0;
	s22 =	simm.s32 $0x200  }
.LBB2_2:
0x11: {  	p0 =	sne.s32 s22, $0xFE00;
	[tilespmem:s21+$0x170] =	vst v0  }
0x12: {  	[tilespmem:s21+$0x100] =	vst v0  }
0x13: {  	[tilespmem:s21+$0x110] =	vst v0  }
.Ltmp0:
0x14: {  	[tilespmem:s21+$0x120] =	vst v0;
	(pc) =	sbr.rel @p0 .LBB2_2-.Ltmp0, $4  }
0x15: {  	[tilespmem:s21+$0x130] =	vst v0  }
0x16: {  	[tilespmem:s21+$0x140] =	vst v0  }
0x17: {  	[tilespmem:s21+$0x150] =	vst v0  }
0x18: {  	[tilespmem:s21+$0x160] =	vst v0;
	s21 =	sshra.s32 s22, $0x2;
	s22 =	sadd.s32 $0x200, s22  }
0x19: {  	[tilespmem:s21+$0x170] =	vst v0  }
0x1a: {  	[tilespmem:s21+$0x100] =	vst v0  }
0x1b: {  	[tilespmem:s21+$0x110] =	vst v0  }
0x1c: {  	[tilespmem:s21+$0x120] =	vst v0  }
0x1d: {  	[tilespmem:s21+$0x130] =	vst v0  }
0x1e: {  	[tilespmem:s21+$0x140] =	vst v0  }
0x1f: {  	[tilespmem:s21+$0x150] =	vst v0  }
0x20: {  	[tilespmem:s21+$0x160] =	vst v0  }
0x21: {  	[spmem:s5] =	stream.linear.scatter [tilespmem:s14], [sflag:$0x2], $0x4000, $0x38;
	[tilespmem:$0x18100] =	vst v63  }
0x22: {  	_ =	swait.ge [sflag:s15], $0x4000  }
0x23: {  	[sflag:s15] =	ssyncset.done $0x0  }
0x24: {  	[sflag:s15] =	ssyncadd.s32 $0xFFFFC000  }
0x25: {  	[spmem:s8] =	stream.linear.scatter [tilespmem:s14], [sflag:$0x2], $0x4000, $0x38;
	[tilespmem:$0x18100] =	vst v63  }
0x26: {  	_ =	swait.ge [sflag:s15], $0x4000  }
0x27: {  	[sflag:s15] =	ssyncset.done $0x0  }
0x28: {  	[sflag:s15] =	ssyncadd.s32 $0xFFFFC000  }
0x29: {  	[spmem:s9] =	stream.linear.scatter [tilespmem:s14], [sflag:$0x2], $0x4000, $0x38;
	[tilespmem:$0x18100] =	vst v63  }
0x2a: {  	_ =	swait.ge [sflag:s15], $0x4000  }
0x2b: {  	[sflag:s15] =	ssyncset.done $0x0  }
0x2c: {  	[sflag:s15] =	ssyncadd.s32 $0xFFFFC000  }
0x2d: {  	[spmem:s10] =	stream.linear.scatter [tilespmem:s14], [sflag:$0x2], $0x4000, $0x38;
	[tilespmem:$0x18100] =	vst v63  }
0x2e: {  	_ =	swait.ge [sflag:s15], $0x4000  }
0x2f: {  	[sflag:s15] =	ssyncset.done $0x0  }
0x30: {  	[sflag:s15] =	ssyncadd.s32 $0xFFFFC000  }
0x31: {  	[spmem:s11] =	stream.linear.scatter [tilespmem:s14], [sflag:$0x2], $0x4000, $0x38;
	[tilespmem:$0x18100] =	vst v63  }
0x32: {  	_ =	swait.ge [sflag:s15], $0x4000  }
0x33: {  	[sflag:s15] =	ssyncset.done $0x0  }
0x34: {  	[sflag:s15] =	ssyncadd.s32 $0xFFFFC000  }
0x35: {  	s30 =	sadd.s32 $0x0, s13;
	[bflag:$0x0] =	sbarrier.arrive $0xFFFF  }
0x36: {  	[tilespmem:s4], [sflag:$0x2] =	stream.linear.gather [hbm4b:s30+s4], $0x80, $0x38;
	[tilespmem:$0x18100] =	vst v63  }
0x37: {  	_ =	swait.ge [sflag:s15], $0x80  }
0x38: {  	[sflag:s15] =	ssyncset.done $0x0  }
0x39: {  	s31 =	sadd.s32 $0x0, s12;
	[sflag:s15] =	ssyncadd.s32 $0xFFFFFF80  }
0x3a: {  	[tilespmem:s16], [sflag:$0x2] =	stream.linear.gather [hbm4b:s31+s4], $0x80, $0x38;
	[tilespmem:$0x18100] =	vst v63  }
0x3b: {  	_ =	swait.ge [sflag:s15], $0x80  }
0x3c: {  	[sflag:s15] =	ssyncset.done $0x0  }
0x3d: {  	[sflag:s15] =	ssyncadd.s32 $0xFFFFFF80  }
0x3e: {  	[tilespmem:s14], [sflag:$0x1] =	stream.indirect.gather [hbm4b:s0+s16], $0x80, s4, s16, $0xb8;
	[tilespmem:$0x18100] =	vst v63  }
0x3f: {  	_ =	swait.ge [sflag:s17], $0x4000  }
0x40: {  	[sflag:s17] =	ssyncset.done $0x0  }
0x41: {  	[sflag:s17] =	ssyncadd.s32 $0xFFFFC000  }
0x42: {  	[spmem:s3] =	stream.indirect.scatter.add.f32 [tilespmem:s14], [sflag:$0x2], $0x80, s16, s16, $0xb8;
	[tilespmem:$0x18100] =	vst v63  }
0x43: {  	_ =	swait.ge [sflag:s15], $0x4000  }
0x44: {  	s21 =	simm.s32 $0x10;
	s22 =	simm.s32 $0x20;
	[sflag:s15] =	ssyncset.done $0x0  }
.LBB2_4:
0x45: {  	s23 =	sadd.s32 s21, s13  }
0x46: {  	[sflag:s15] =	ssyncadd.s32 $0xFFFFC000;
	s24 =	smov.u32 s22;
	s25 =	sadd.s32 $0x10, s22  }
0x47: {  	[tilespmem:s4], [sflag:$0x2] =	stream.linear.gather [hbm4b:s23+s4], $0x80, $0x38;
	[tilespmem:$0x18100] =	vst v63  }
0x48: {  	p0 =	sne.s32 s22, $0x4E0;
	_ =	swait.ge [sflag:s15], $0x80  }
0x49: {  	[sflag:s15] =	ssyncset.done $0x0  }
0x4a: {  	s22 =	sadd.s32 s21, s12;
	s21 =	smov.u32 s24;
	[sflag:s15] =	ssyncadd.s32 $0xFFFFFF80  }
0x4b: {  	[tilespmem:s16], [sflag:$0x2] =	stream.linear.gather [hbm4b:s22+s4], $0x80, $0x38;
	[tilespmem:$0x18100] =	vst v63  }
0x4c: {  	_ =	swait.ge [sflag:s15], $0x80  }
0x4d: {  	[sflag:s15] =	ssyncset.done $0x0  }
0x4e: {  	[sflag:s15] =	ssyncadd.s32 $0xFFFFFF80  }
0x4f: {  	[tilespmem:s14], [sflag:$0x1] =	stream.indirect.gather [hbm4b:s0+s16], $0x80, s4, s16, $0xb8;
	[tilespmem:$0x18100] =	vst v63  }
0x50: {  	_ =	swait.ge [sflag:s17], $0x4000  }
.Ltmp1:
0x51: {  	[sflag:s17] =	ssyncset.done $0x0;
	(pc) =	sbr.rel @p0 .LBB2_4-.Ltmp1, $4  }
0x52: {  	[sflag:s17] =	ssyncadd.s32 $0xFFFFC000  }
0x53: {  	[spmem:s3] =	stream.indirect.scatter.add.f32 [tilespmem:s14], [sflag:$0x2], $0x80, s16, s16, $0xb8;
	[tilespmem:$0x18100] =	vst v63  }
0x54: {  	_ =	swait.ge [sflag:s15], $0x4000  }
0x55: {  	s22 =	smov.u32 s25;
	[sflag:s15] =	ssyncset.done $0x0  }
0x56: {  	s22 =	sadd.s32 s21, s13;
	[sflag:s15] =	ssyncadd.s32 $0xFFFFC000  }
0x57: {  	[tilespmem:s4], [sflag:$0x2] =	stream.linear.gather [hbm4b:s22+s4], $0x80, $0x38;
	[tilespmem:$0x18100] =	vst v63  }
0x58: {  	_ =	swait.ge [sflag:s15], $0x80  }
0x59: {  	[sflag:s15] =	ssyncset.done $0x0  }
0x5a: {  	s31 =	sadd.s32 s21, s12;
	[sflag:s15] =	ssyncadd.s32 $0xFFFFFF80  }
0x5b: {  	[tilespmem:s16], [sflag:$0x2] =	stream.linear.gather [hbm4b:s31+s4], $0x80, $0x38;
	[tilespmem:$0x18100] =	vst v63  }
0x5c: {  	_ =	swait.ge [sflag:s15], $0x80  }
0x5d: {  	[sflag:s15] =	ssyncset.done $0x0  }
0x5e: {  	[sflag:s15] =	ssyncadd.s32 $0xFFFFFF80  }
0x5f: {  	[tilespmem:s14], [sflag:$0x1] =	stream.indirect.gather [hbm4b:s0+s16], $0x80, s4, s16, $0xb8;
	[tilespmem:$0x18100] =	vst v63  }
0x60: {  	_ =	swait.ge [sflag:s17], $0x4000  }
0x61: {  	[sflag:s17] =	ssyncset.done $0x0  }
0x62: {  	[sflag:s17] =	ssyncadd.s32 $0xFFFFC000  }
0x63: {  	[spmem:s3] =	stream.indirect.scatter.add.f32 [tilespmem:s14], [sflag:$0x2], $0x80, s16, s16, $0xb8;
	[tilespmem:$0x18100] =	vst v63  }
0x64: {  	_ =	swait.ge [sflag:s15], $0x4000  }
0x65: {  	s20 =	sadd.s32 $0x1, s20;
	[sflag:s15] =	ssyncset.done $0x0  }
0x66: {  	p0 =	sne.s32 s20, s7;
	[sflag:s15] =	ssyncadd.s32 $0xFFFFC000  }
.Ltmp2:
0x67: {  	[bflag:$0x0] =	sbarrier.arrive $0xFFFF;
	(pc) =	sbr.rel @p0 .LBB2_1-.Ltmp2, $4  }
0x68: {  	[hbm:s6], [sflag:s18] =	dma.local [spmem:s19], $0x2800  }
0x69: {  	_ =	swait.ge [sflag:s15], $0x2800  }
0x6a: {  	[sflag:s15] =	ssyncset.done $0x0  }
0x6b: {  	[sflag:s15] =	ssyncadd.s32 $0xFFFFD800  }
0x6c: {  	_ =	sfence.sel $0x180000  }
0x6d: {  	[bflag:$0x0] =	sbarrier.arrive $0xFFFF  }
0x6e: {  	p0 =	sne.s32 s2, $0x0;
	_ =	strace $0x9000004A  }
0x6f: {  	s0 =	sadd.s32 @!p0 $0x100000, s1;
	[bflag:$0x2] =	sbarrier.arrive $0xFFFF  }
0x70: {  	[sflag:s0] =	ssyncadd.tile.s32 @!p0 $0x1;
	_ =	shalt  }
.Lfunc_end2:
_tile_overlayer_lowered:
.L_overlay_start_2:
0x71: {  	(tag) =	ssettag $0x2  }
0x72: {  	s0 =	rddreg [dreg:$0x0];
	s2 =	stileid.u32  }
0x73: {  	s1 =	rddreg [dreg:$0x1];
	p0 =	sne.s32 s2, $0x0  }
0x74: {  	s3 =	rddreg [dreg:$0x2];
	[bflag:$0x3] =	sbarrier.arrive $0xFFFF;
	s2 =	simm.s32 @!p0 $0x1C02  }
0x75: {  	[timem:s3], [sflag:s2] =	dma.local @!p0 [hbm:s0], s1  }
0x76: {  	s0 =	simm.s32 @!p0 $0x2  }
0x77: {  	_ =	swait.ge @!p0 [sflag:s0], s1  }
0x78: {  	s1 =	ssub.s32 @!p0 $0x0, s1;
	[sflag:s0] =	ssyncset.done @!p0 $0x0  }
0x79: {  	[sflag:s0] =	ssyncadd.s32 @!p0 s1  }
0x7a: {  	[bflag:$0x3] =	sbarrier.arrive $0xFFFF  }
0x7b: {  	_ =	shalt  }

// kernel: kernel.14.cloned.1.call-start
scs
__scs_entry_jumppad:
0x0: {  	(pc) =	sbr.rel $0x88, $3  }
0x1: {  	(tag) =	ssettag $0x0;
	lr =	simm.s32 $0x1  }
0x2: {  	[smem:$0x3F9B] =	sst lr;
	_ =	strace $0xD0000000  }
0x3: {  	_ = 	snop  }
0x4: {  	_ = 	snop  }
0x5: {  	_ = 	snop  }
0x6: {  	_ = 	snop  }
0x7: {  	_ = 	snop  }
__scs_overlays_trampoline_lowered:
0x8: {  	[smem:$0x3FAA] =	sst s0  }
0x9: {  	[smem:$0x3FAB] =	sst s1  }
0xa: {  	[smem:$0x3FAC] =	sst s2  }
0xb: {  	[smem:$0x3FAD] =	sst s3  }
0xc: {  	[smem:$0x3FAE] =	sst s4  }
0xd: {  	[smem:$0x3FAF] =	sst s5  }
0xe: {  	[smem:$0x3FB0] =	sst s6  }
0xf: {  	[smem:$0x3FB1] =	sst s7  }
0x10: {  	[smem:$0x3FB2] =	sst s8  }
0x11: {  	[smem:$0x3FB3] =	sst s9;
	s0 =	simm.s32 @!p0 $0x0  }
0x12: {  	s1 =	sld [smem:$0x3F99];
	s0 =	simm.s32 @p0 $0x1  }
0x13: {  	[smem:$0x3FB4] =	sst s0;
	s0 =	simm.s32 @!p1 $0x0  }
0x14: {  	s2 =	sld [smem:$0x3F98];
	s0 =	simm.s32 @p1 $0x1  }
0x15: {  	[smem:$0x3FB5] =	sst s0;
	s0 =	simm.s32 @!p2 $0x0  }
0x16: {  	s3 =	sld [smem:$0x3FDB];
	s0 =	simm.s32 @p2 $0x1  }
0x17: {  	s4 =	simm.s32 $0x1BF5;
	[smem:$0x3FB7] =	sst s0  }
0x18: {  	s0 =	sld [smem:$0x3F9A];
	_ =	swait.ge [sflag:s4], $0x0  }
0x19: {  	s7 =	sld [smem:$0x3F9B]  }
0x1a: {  	s8 =	sadd.s32 $0xFFFFE003, lr  }
0x1b: {  	s9 =	sadd.s32 $0xFFFFFEF7, lr;
	s5 =	simm.s32 $0xFFFFFFFF;
	p2 =	slt.u32 s8, $0xFFFFF086  }
0x1c: {  	p1 =	slt.u32 s9, $0xF7A;
	s5 =	simm.s32 @!p2 $0x0  }
0x1d: {  	s5 =	simm.s32 @p1 $0x1;
	p0 =	seq.s32 s7, s2  }
0x1e: {  	s7 =	smul.u32 @!p0 $0xF7A, s2;
	p2 =	seq.s32 @!p0 s5, $0x0  }
0x1f: {  	s9 =	smul.u32 $0xF7A, s1;
	s8 =	simm.s32 @!p0 $0x1BF5;
	p2 =	por !p2, p0  }
0x20: {  	[sflag:s8] =	ssyncset.s32 @!p0 $0xFFFFF086;
	s6 =	sadd.s32 @!p0 s3, s7;
	s7 =	simm.s32 @!p0 $0x108  }
0x21: {  	s3 =	sadd.s32 s3, s9;
	s6 =	sadd.s32 @!p0 $0x88, s6;
	s7 =	simm.s32 @p2 $0x1082  }
0x22: {  	[simem:s7], [sflag:s8] =	dma.local @!p0 [hbm:s6], $0xF7A  }
0x23: {  	s9 =	sor.u32 $0xD0000000, s2;
	s6 =	simm.s32 $0x108;
	_ =	swait.ge @!p0 [sflag:s8], $0x0  }
0x24: {  	s3 =	sadd.s32 $0x88, s3;
	s6 =	simm.s32 @!p1 $0x1082;
	[sflag:s4] =	ssyncset.s32 $0xFFFFF086  }
0x25: {  	[simem:s6], [sflag:s4] =	dma.local [hbm:s3], $0xF7A  }
0x26: {  	[smem:$0x3F9B] =	sst s1;
	(tag) =	ssettag s2;
	_ =	strace s9  }
0x27: {  	s1 =	sld [smem:$0x3FAB]  }
0x28: {  	s2 =	sld [smem:$0x3FAC]  }
0x29: {  	s4 =	sld [smem:$0x3FAE]  }
0x2a: {  	p0 =	seq.s32 s5, $0x0;
	s5 =	sld [smem:$0x3FAF]  }
0x2b: {  	s6 =	sld [smem:$0x3FB0]  }
0x2c: {  	s7 =	sld [smem:$0x3FB1]  }
0x2d: {  	s3 =	simm.s32 $0x108;
	s8 =	sld [smem:$0x3FB2]  }
0x2e: {  	s3 =	simm.s32 @!p0 $0x1082;
	s9 =	sld [smem:$0x3FB3]  }
0x2f: {  	lr =	sadd.s32 s0, s3;
	s0 =	sld [smem:$0x3FAA]  }
0x30: {  	s3 =	sld [smem:$0x3FAD]  }
0x31: {  	[smem:$0x3FB6] =	sst s10  }
0x32: {  	s10 =	sld [smem:$0x3FB4];
	_ =	sdelay $0x3  }
0x33: {  	p0 =	seq.s32 s10, $0x1;
	s10 =	sld [smem:$0x3FB6];
	_ =	sdelay $0x3  }
0x34: {  	[smem:$0x3FB6] =	sst s10  }
0x35: {  	s10 =	sld [smem:$0x3FB5];
	_ =	sdelay $0x3  }
0x36: {  	p1 =	seq.s32 s10, $0x1;
	s10 =	sld [smem:$0x3FB6];
	_ =	sdelay $0x3  }
0x37: {  	[smem:$0x3FB6] =	sst s10  }
0x38: {  	s10 =	sld [smem:$0x3FB7]  }
0x39: {  	_ = 	snop;
	(pc) =	sbr.ind lr, $3  }
0x3a: {  	_ = 	snop  }
0x3b: {  	_ = 	snop  }
0x3c: {  	p2 =	seq.s32 s10, $0x1;
	s10 =	sld [smem:$0x3FB6]  }
0x3d: {  	_ =	shalt  }
0x3e: {  	_ =	shalt  }
0x3f: {  	_ =	shalt  }
0x40: {  	_ =	shalt  }
0x41: {  	_ =	shalt  }
0x42: {  	_ =	shalt  }
0x43: {  	_ =	shalt  }
0x44: {  	_ =	shalt  }
0x45: {  	_ =	shalt  }
0x46: {  	_ =	shalt  }
0x47: {  	_ =	shalt  }
0x48: {  	_ =	shalt  }
0x49: {  	_ =	shalt  }
0x4a: {  	_ =	shalt  }
0x4b: {  	_ =	shalt  }
0x4c: {  	_ =	shalt  }
0x4d: {  	_ =	shalt  }
0x4e: {  	_ =	shalt  }
0x4f: {  	_ =	shalt  }
0x50: {  	_ =	shalt  }
0x51: {  	_ =	shalt  }
0x52: {  	_ =	shalt  }
0x53: {  	_ =	shalt  }
0x54: {  	_ =	shalt  }
0x55: {  	_ =	shalt  }
0x56: {  	_ =	shalt  }
0x57: {  	_ =	shalt  }
0x58: {  	_ =	shalt  }
0x59: {  	_ =	shalt  }
0x5a: {  	_ =	shalt  }
0x5b: {  	_ =	shalt  }
0x5c: {  	_ =	shalt  }
0x5d: {  	_ =	shalt  }
0x5e: {  	_ =	shalt  }
0x5f: {  	_ =	shalt  }
0x60: {  	_ =	shalt  }
0x61: {  	_ =	shalt  }
0x62: {  	_ =	shalt  }
0x63: {  	_ =	shalt  }
0x64: {  	_ =	shalt  }
0x65: {  	_ =	shalt  }
0x66: {  	_ =	shalt  }
0x67: {  	_ =	shalt  }
0x68: {  	_ =	shalt  }
0x69: {  	_ =	shalt  }
0x6a: {  	_ =	shalt  }
0x6b: {  	_ =	shalt  }
0x6c: {  	_ =	shalt  }
0x6d: {  	_ =	shalt  }
0x6e: {  	_ =	shalt  }
0x6f: {  	_ =	shalt  }
0x70: {  	_ =	shalt  }
0x71: {  	_ =	shalt  }
0x72: {  	_ =	shalt  }
0x73: {  	_ =	shalt  }
0x74: {  	_ =	shalt  }
0x75: {  	_ =	shalt  }
0x76: {  	_ =	shalt  }
0x77: {  	_ =	shalt  }
0x78: {  	_ =	shalt  }
0x79: {  	_ =	shalt  }
0x7a: {  	_ =	shalt  }
0x7b: {  	_ =	shalt  }
0x7c: {  	_ =	shalt  }
0x7d: {  	_ =	shalt  }
0x7e: {  	_ =	shalt  }
0x7f: {  	_ =	shalt  }
0x80: {  	_ =	shalt  }
0x81: {  	_ =	shalt  }
0x82: {  	_ =	shalt  }
0x83: {  	_ =	shalt  }
0x84: {  	_ =	shalt  }
0x85: {  	_ =	shalt  }
0x86: {  	_ =	shalt  }
0x87: {  	_ =	shalt  }
.Lfunc_end0:
.L_simem_size_0:
called_computation.2_lowered:
.L_overlay_start_0:
0x88: {  	s2 =	sld [smem:$0x3FD9]  }
0x89: {  	s3 =	sld [smem:$0x3FFE];
	_ =	sdelay $0x1  }
0x8a: {  	s1 =	srdreg.scid  }
0x8b: {  	s0 =	sand.u32 $0x1, s1  }
0x8c: {  	s17 =	sshll.u32 s0, $0xA;
	s2 =	sadd.s32 s3, s2  }
0x8d: {  	s2 =	sadd.s32 s2, s17  }
0x8e: {  	[smem:$0x3FC2] =	sst s2  }
0x8f: {  	_ = 	snop  }
0x90: {  	s2 =	sld [smem:$0x3FD0];
	(tm) =	ssettm $0x1  }
0x91: {  	s18 =	sld [smem:$0x3FFB];
	_ =	sdelay $0x3  }
0x92: {  	_ =	strace s18  }
0x93: {  	s3 =	sld [smem:$0x3FFC];
	_ =	sdelay $0x3  }
0x94: {  	_ =	strace s3  }
0x95: {  	s3 =	sld [smem:$0x3FFD];
	_ =	sdelay $0x3  }
0x96: {  	_ =	strace s3  }
0x97: {  	_ =	strace $0x8FFFFFFF  }
0x98: {  	s19 =	sld [smem:$0x3FDB];
	_ =	sdelay $0x1  }
0x99: {  	s4 =	simm.s32 $_scs_section_size  }
0x9a: {  	s5 =	simm.s32 $_size__tile_overlayer_lowered;
	s6 =	simm.s32 $_tile_overlayer_lowered  }
0x9b: {  	s22 =	simm.s32 $0x1BFF;
	s21 =	sshll.u32 s6, $0x1;
	s3 =	sadd.s32 s4, s19  }
0x9c: {  	s7 =	simm.s32 $0x0;
	s20 =	sshll.u32 s5, $0x1;
	s5 =	sadd.s32 s21, s3  }
0x9d: {  	[timem:s7], [sflag:s22] =	dma.local [hbm:s5], s20  }
0x9e: {  	_ =	swait.ge [sflag:s22], s20  }
0x9f: {  	s4 =	ssub.s32 $0x0, s20;
	[sflag:s22] =	ssyncset.done $0x0  }
0xa0: {  	[sflag:s22] =	ssyncadd.s32 s4;
	_ =	sdelay $0x1  }
0xa1: {  	s23 =	simm.s32 $0x1B8B  }
0xa2: {  	_ =	swait.ge [sflag:s23], $0x1  }
0xa3: {  	[sflag:s23] =	ssyncset.done $0x0  }
0xa4: {  	s25 =	simm.s32 $0x1B8E;
	s24 =	sld [smem:$0x3FFE];
	[sflag:s23] =	ssyncadd.s32 $0xFFFFFFFF  }
0xa5: {  	s26 =	simm.s32 $execute0_lowered;
	[smem:$0x3FD2] =	sst s25  }
0xa6: {  	s5 =	sshll.u32 s26, $0x1;
	_ =	strace $0x8000004C;
	[dreg:$0x1] =	wrdreg $0xFFFFFFFF  }
0xa7: {  	s28 =	simm.s32 $_size_execute0_lowered;
	s3 =	sadd.s32 s3, s5;
	[dreg:$0x0] =	wrdreg $0x0  }
0xa8: {  	s5 =	sshll.u32 s28, $0x1;
	[dreg:$0x2] =	wrdreg s3  }
0xa9: {  	[dreg:$0x3] =	wrdreg s5  }
0xaa: {  	[dreg:$0x4] =	wrdreg $0xC0  }
0xab: {  	_ =	task [dreg:s7], $0x5FFFF  }
0xac: {  	[dreg:$0x1] =	wrdreg $0xFFFFFFFF  }
0xad: {  	[dreg:$0x0] =	wrdreg $0x60  }
0xae: {  	[dreg:$0x2] =	wrdreg s2  }
0xaf: {  	[dreg:$0x3] =	wrdreg s24  }
0xb0: {  	[dreg:$0x4] =	wrdreg $0x41000  }
0xb1: {  	[dreg:$0x5] =	wrdreg $0x9  }
0xb2: {  	_ =	task.clear_ibuf [dreg:s7], $0x6FFFF;
	_ =	strace $0x9000004C  }
0xb3: {  	s29 =	simm.s32 $0x9;
	_ =	strace $0x8000004E  }
0xb4: {  	_ =	swait.ge [sflag:s29], $0x1  }
0xb5: {  	[sflag:s29] =	ssyncadd.s32 $0xFFFFFFFF  }
0xb6: {  	_ =	strace $0x9000004E  }
0xb7: {  	_ =	sfence  }
0xb8: {  	s30 =	sld [smem:$0x0];
	_ =	sdelay $0x2  }
0xb9: {  	s31 =	sshll.u32 s1, $0xD;
	s1 =	sshrl.u32 s1, $0x2  }
0xba: {  	s3 =	sand.u32 $0x4000, s31;
	s1 =	sadd.s32 s1, s30  }
0xbb: {  	s0 =	sor.u32 s3, s0;
	s1 =	sshll.u32 s1, $0x11  }
0xbc: {  	s0 =	sor.u32 s1, s0  }
0xbd: {  	s0 =	sadd.s32 $0x8F2B, s0  }
0xbe: {  	[sflag:s0] =	ssyncadd.remote.s32 $0x1  }
0xbf: {  	_ =	sfence.sel $0xFFFF  }
0xc0: {  	[dreg:$0x0] =	wrdreg $0xFFFFFFFF;
	(pc) =	sbr.abs _section_cstart, $3  }
0xc1: {  	[dreg:$0x1] =	wrdreg $0xFFFFFFFF  }
0xc2: {  	_ =	task.clear_ibuf [dreg:s7], $0x2FFFF;
	_ =	strace $0x9FFFFFFF  }
0xc3: {  	(tm) =	ssettm $0x7FFFFFFF  }
tec
execute0_lowered:
.L_overlay_start_1:
0x0: {  	(tag) =	ssettag $0x1  }
0x1: {  	s0 =	rddreg [dreg:$0x0]  }
0x2: {  	s5 =	rddreg [dreg:$0x1];
	s1 =	srdreg.scid  }
0x3: {  	s3 =	rddreg [dreg:$0x2];
	s2 =	stileid.u32  }
0x4: {  	s4 =	simm.s32 $0x0;
	s14 =	simm.s32 $0x100;
	s15 =	simm.s32 $0x2  }
0x5: {  	s16 =	simm.s32 $0x80;
	s17 =	simm.s32 $0x1;
	s8 =	smul.u32 $0x14000, s2  }
0x6: {  	s6 =	sand.u32 $0x1, s1;
	s1 =	rddreg [dreg:$0x3];
	s28 =	smul.u32 $0x50000, s2  }
0x7: {  	s20 =	simm.s32 $0x0;
	[smem:$0x7FF] =	sst s4;
	s11 =	smul.u32 $0x4F0, s2  }
0x8: {  	s18 =	sshll.u32 s2, $0x6;
	s7 =	smul.u32 $0x140000, s6;
	_ =	strace $0x8000004D  }
0x9: {  	s9 =	smul.u32 $0x4F00, s6;
	s6 =	ssub.s32 $0x2, s6;
	s18 =	sor.u32 $0x1C02, s18  }
0xa: {  	s29 =	sshrl.u32 s6, $0x1;
	s31 =	sshrl.u32 s28, $0x2;
	s7 =	sadd.s32 s8, s7  }
0xb: {  	s10 =	sadd.s32 s9, s5;
	s30 =	ssub.s32 s6, s29;
	s7 =	sshrl.u32 s7, $0x3  }
0xc: {  	s13 =	sadd.s32 s11, s10;
	s7 =	sadd.s32 s7, s5;
	s5 =	sadd.s32 s31, s3  }
0xd: {  	s12 =	sadd.s32 $0x2200, s13;
	s13 =	sadd.s32 $0x5C000, s13;
	s6 =	sadd.s32 $0x65E00, s7  }
0xe: {  	s7 =	smax.u32 s30, $0x1;
	s8 =	sadd.s32 $0x4000, s5;
	s9 =	sadd.s32 $0x8000, s5  }
0xf: {  	v0 =	vimm.f32 $0.0e+00;
	s10 =	sadd.s32 $0xC000, s5;
	s11 =	sadd.s32 $0x10000, s5;
	s19 =	sshrl.u32 s5, $0x3  }
.LBB2_1:
0x10: {  	s21 =	simm.s32 $0x0;
	s22 =	simm.s32 $0x200  }
.LBB2_2:
0x11: {  	p0 =	sne.s32 s22, $0xFE00;
	[tilespmem:s21+$0x170] =	vst v0  }
0x12: {  	[tilespmem:s21+$0x100] =	vst v0  }
0x13: {  	[tilespmem:s21+$0x110] =	vst v0  }
.Ltmp0:
0x14: {  	[tilespmem:s21+$0x120] =	vst v0;
	(pc) =	sbr.rel @p0 .LBB2_2-.Ltmp0, $4  }
0x15: {  	[tilespmem:s21+$0x130] =	vst v0  }
0x16: {  	[tilespmem:s21+$0x140] =	vst v0  }
0x17: {  	[tilespmem:s21+$0x150] =	vst v0  }
0x18: {  	[tilespmem:s21+$0x160] =	vst v0;
	s21 =	sshra.s32 s22, $0x2;
	s22 =	sadd.s32 $0x200, s22  }
0x19: {  	[tilespmem:s21+$0x170] =	vst v0  }
0x1a: {  	[tilespmem:s21+$0x100] =	vst v0  }
0x1b: {  	[tilespmem:s21+$0x110] =	vst v0  }
0x1c: {  	[tilespmem:s21+$0x120] =	vst v0  }
0x1d: {  	[tilespmem:s21+$0x130] =	vst v0  }
0x1e: {  	[tilespmem:s21+$0x140] =	vst v0  }
0x1f: {  	[tilespmem:s21+$0x150] =	vst v0  }
0x20: {  	[tilespmem:s21+$0x160] =	vst v0  }
0x21: {  	[spmem:s5] =	stream.linear.scatter [tilespmem:s14], [sflag:$0x2], $0x4000, $0x38;
	[tilespmem:$0x18100] =	vst v63  }
0x22: {  	_ =	swait.ge [sflag:s15], $0x4000  }
0x23: {  	[sflag:s15] =	ssyncset.done $0x0  }
0x24: {  	[sflag:s15] =	ssyncadd.s32 $0xFFFFC000  }
0x25: {  	[spmem:s8] =	stream.linear.scatter [tilespmem:s14], [sflag:$0x2], $0x4000, $0x38;
	[tilespmem:$0x18100] =	vst v63  }
0x26: {  	_ =	swait.ge [sflag:s15], $0x4000  }
0x27: {  	[sflag:s15] =	ssyncset.done $0x0  }
0x28: {  	[sflag:s15] =	ssyncadd.s32 $0xFFFFC000  }
0x29: {  	[spmem:s9] =	stream.linear.scatter [tilespmem:s14], [sflag:$0x2], $0x4000, $0x38;
	[tilespmem:$0x18100] =	vst v63  }
0x2a: {  	_ =	swait.ge [sflag:s15], $0x4000  }
0x2b: {  	[sflag:s15] =	ssyncset.done $0x0  }
0x2c: {  	[sflag:s15] =	ssyncadd.s32 $0xFFFFC000  }
0x2d: {  	[spmem:s10] =	stream.linear.scatter [tilespmem:s14], [sflag:$0x2], $0x4000, $0x38;
	[tilespmem:$0x18100] =	vst v63  }
0x2e: {  	_ =	swait.ge [sflag:s15], $0x4000  }
0x2f: {  	[sflag:s15] =	ssyncset.done $0x0  }
0x30: {  	[sflag:s15] =	ssyncadd.s32 $0xFFFFC000  }
0x31: {  	[spmem:s11] =	stream.linear.scatter [tilespmem:s14], [sflag:$0x2], $0x4000, $0x38;
	[tilespmem:$0x18100] =	vst v63  }
0x32: {  	_ =	swait.ge [sflag:s15], $0x4000  }
0x33: {  	[sflag:s15] =	ssyncset.done $0x0  }
0x34: {  	[sflag:s15] =	ssyncadd.s32 $0xFFFFC000  }
0x35: {  	s30 =	sadd.s32 $0x0, s13;
	[bflag:$0x0] =	sbarrier.arrive $0xFFFF  }
0x36: {  	[tilespmem:s4], [sflag:$0x2] =	stream.linear.gather [hbm4b:s30+s4], $0x80, $0x38;
	[tilespmem:$0x18100] =	vst v63  }
0x37: {  	_ =	swait.ge [sflag:s15], $0x80  }
0x38: {  	[sflag:s15] =	ssyncset.done $0x0  }
0x39: {  	s31 =	sadd.s32 $0x0, s12;
	[sflag:s15] =	ssyncadd.s32 $0xFFFFFF80  }
0x3a: {  	[tilespmem:s16], [sflag:$0x2] =	stream.linear.gather [hbm4b:s31+s4], $0x80, $0x38;
	[tilespmem:$0x18100] =	vst v63  }
0x3b: {  	_ =	swait.ge [sflag:s15], $0x80  }
0x3c: {  	[sflag:s15] =	ssyncset.done $0x0  }
0x3d: {  	[sflag:s15] =	ssyncadd.s32 $0xFFFFFF80  }
0x3e: {  	[tilespmem:s14], [sflag:$0x1] =	stream.indirect.gather [hbm4b:s0+s16], $0x80, s4, s16, $0xb8;
	[tilespmem:$0x18100] =	vst v63  }
0x3f: {  	_ =	swait.ge [sflag:s17], $0x4000  }
0x40: {  	[sflag:s17] =	ssyncset.done $0x0  }
0x41: {  	[sflag:s17] =	ssyncadd.s32 $0xFFFFC000  }
0x42: {  	[spmem:s3] =	stream.indirect.scatter.add.f32 [tilespmem:s14], [sflag:$0x2], $0x80, s16, s16, $0xb8;
	[tilespmem:$0x18100] =	vst v63  }
0x43: {  	_ =	swait.ge [sflag:s15], $0x4000  }
0x44: {  	s21 =	simm.s32 $0x10;
	s22 =	simm.s32 $0x20;
	[sflag:s15] =	ssyncset.done $0x0  }
.LBB2_4:
0x45: {  	s23 =	sadd.s32 s21, s13  }
0x46: {  	[sflag:s15] =	ssyncadd.s32 $0xFFFFC000;
	s24 =	smov.u32 s22;
	s25 =	sadd.s32 $0x10, s22  }
0x47: {  	[tilespmem:s4], [sflag:$0x2] =	stream.linear.gather [hbm4b:s23+s4], $0x80, $0x38;
	[tilespmem:$0x18100] =	vst v63  }
0x48: {  	p0 =	sne.s32 s22, $0x4E0;
	_ =	swait.ge [sflag:s15], $0x80  }
0x49: {  	[sflag:s15] =	ssyncset.done $0x0  }
0x4a: {  	s22 =	sadd.s32 s21, s12;
	s21 =	smov.u32 s24;
	[sflag:s15] =	ssyncadd.s32 $0xFFFFFF80  }
0x4b: {  	[tilespmem:s16], [sflag:$0x2] =	stream.linear.gather [hbm4b:s22+s4], $0x80, $0x38;
	[tilespmem:$0x18100] =	vst v63  }
0x4c: {  	_ =	swait.ge [sflag:s15], $0x80  }
0x4d: {  	[sflag:s15] =	ssyncset.done $0x0  }
0x4e: {  	[sflag:s15] =	ssyncadd.s32 $0xFFFFFF80  }
0x4f: {  	[tilespmem:s14], [sflag:$0x1] =	stream.indirect.gather [hbm4b:s0+s16], $0x80, s4, s16, $0xb8;
	[tilespmem:$0x18100] =	vst v63  }
0x50: {  	_ =	swait.ge [sflag:s17], $0x4000  }
.Ltmp1:
0x51: {  	[sflag:s17] =	ssyncset.done $0x0;
	(pc) =	sbr.rel @p0 .LBB2_4-.Ltmp1, $4  }
0x52: {  	[sflag:s17] =	ssyncadd.s32 $0xFFFFC000  }
0x53: {  	[spmem:s3] =	stream.indirect.scatter.add.f32 [tilespmem:s14], [sflag:$0x2], $0x80, s16, s16, $0xb8;
	[tilespmem:$0x18100] =	vst v63  }
0x54: {  	_ =	swait.ge [sflag:s15], $0x4000  }
0x55: {  	s22 =	smov.u32 s25;
	[sflag:s15] =	ssyncset.done $0x0  }
0x56: {  	s22 =	sadd.s32 s21, s13;
	[sflag:s15] =	ssyncadd.s32 $0xFFFFC000  }
0x57: {  	[tilespmem:s4], [sflag:$0x2] =	stream.linear.gather [hbm4b:s22+s4], $0x80, $0x38;
	[tilespmem:$0x18100] =	vst v63  }
0x58: {  	_ =	swait.ge [sflag:s15], $0x80  }
0x59: {  	[sflag:s15] =	ssyncset.done $0x0  }
0x5a: {  	s31 =	sadd.s32 s21, s12;
	[sflag:s15] =	ssyncadd.s32 $0xFFFFFF80  }
0x5b: {  	[tilespmem:s16], [sflag:$0x2] =	stream.linear.gather [hbm4b:s31+s4], $0x80, $0x38;
	[tilespmem:$0x18100] =	vst v63  }
0x5c: {  	_ =	swait.ge [sflag:s15], $0x80  }
0x5d: {  	[sflag:s15] =	ssyncset.done $0x0  }
0x5e: {  	[sflag:s15] =	ssyncadd.s32 $0xFFFFFF80  }
0x5f: {  	[tilespmem:s14], [sflag:$0x1] =	stream.indirect.gather [hbm4b:s0+s16], $0x80, s4, s16, $0xb8;
	[tilespmem:$0x18100] =	vst v63  }
0x60: {  	_ =	swait.ge [sflag:s17], $0x4000  }
0x61: {  	[sflag:s17] =	ssyncset.done $0x0  }
0x62: {  	[sflag:s17] =	ssyncadd.s32 $0xFFFFC000  }
0x63: {  	[spmem:s3] =	stream.indirect.scatter.add.f32 [tilespmem:s14], [sflag:$0x2], $0x80, s16, s16, $0xb8;
	[tilespmem:$0x18100] =	vst v63  }
0x64: {  	_ =	swait.ge [sflag:s15], $0x4000  }
0x65: {  	s20 =	sadd.s32 $0x1, s20;
	[sflag:s15] =	ssyncset.done $0x0  }
0x66: {  	p0 =	sne.s32 s20, s7;
	[sflag:s15] =	ssyncadd.s32 $0xFFFFC000  }
.Ltmp2:
0x67: {  	[bflag:$0x0] =	sbarrier.arrive $0xFFFF;
	(pc) =	sbr.rel @p0 .LBB2_1-.Ltmp2, $4  }
0x68: {  	[hbm:s6], [sflag:s18] =	dma.local [spmem:s19], $0x2800  }
0x69: {  	_ =	swait.ge [sflag:s15], $0x2800  }
0x6a: {  	[sflag:s15] =	ssyncset.done $0x0  }
0x6b: {  	[sflag:s15] =	ssyncadd.s32 $0xFFFFD800  }
0x6c: {  	_ =	sfence.sel $0x180000  }
0x6d: {  	[bflag:$0x0] =	sbarrier.arrive $0xFFFF  }
0x6e: {  	p0 =	sne.s32 s2, $0x0;
	_ =	strace $0x9000004D  }
0x6f: {  	s0 =	sadd.s32 @!p0 $0x100000, s1;
	[bflag:$0x2] =	sbarrier.arrive $0xFFFF  }
0x70: {  	[sflag:s0] =	ssyncadd.tile.s32 @!p0 $0x1;
	_ =	shalt  }
.Lfunc_end2:
_tile_overlayer_lowered:
.L_overlay_start_2:
0x71: {  	(tag) =	ssettag $0x2  }
0x72: {  	s0 =	rddreg [dreg:$0x0];
	s2 =	stileid.u32  }
0x73: {  	s1 =	rddreg [dreg:$0x1];
	p0 =	sne.s32 s2, $0x0  }
0x74: {  	s3 =	rddreg [dreg:$0x2];
	[bflag:$0x3] =	sbarrier.arrive $0xFFFF;
	s2 =	simm.s32 @!p0 $0x1C02  }
0x75: {  	[timem:s3], [sflag:s2] =	dma.local @!p0 [hbm:s0], s1  }
0x76: {  	s0 =	simm.s32 @!p0 $0x2  }
0x77: {  	_ =	swait.ge @!p0 [sflag:s0], s1  }
0x78: {  	s1 =	ssub.s32 @!p0 $0x0, s1;
	[sflag:s0] =	ssyncset.done @!p0 $0x0  }
0x79: {  	[sflag:s0] =	ssyncadd.s32 @!p0 s1  }
0x7a: {  	[bflag:$0x3] =	sbarrier.arrive $0xFFFF  }
0x7b: {  	_ =	shalt  }

// kernel: kernel.8.cloned.1.call-start
scs
__scs_entry_jumppad:
0x0: {  	(pc) =	sbr.rel $0x88, $3  }
0x1: {  	(tag) =	ssettag $0x0;
	lr =	simm.s32 $0x1  }
0x2: {  	[smem:$0x3F9B] =	sst lr;
	_ =	strace $0xD0000000  }
0x3: {  	_ = 	snop  }
0x4: {  	_ = 	snop  }
0x5: {  	_ = 	snop  }
0x6: {  	_ = 	snop  }
0x7: {  	_ = 	snop  }
__scs_overlays_trampoline_lowered:
0x8: {  	[smem:$0x3FAA] =	sst s0  }
0x9: {  	[smem:$0x3FAB] =	sst s1  }
0xa: {  	[smem:$0x3FAC] =	sst s2  }
0xb: {  	[smem:$0x3FAD] =	sst s3  }
0xc: {  	[smem:$0x3FAE] =	sst s4  }
0xd: {  	[smem:$0x3FAF] =	sst s5  }
0xe: {  	[smem:$0x3FB0] =	sst s6  }
0xf: {  	[smem:$0x3FB1] =	sst s7  }
0x10: {  	[smem:$0x3FB2] =	sst s8  }
0x11: {  	[smem:$0x3FB3] =	sst s9;
	s0 =	simm.s32 @!p0 $0x0  }
0x12: {  	s1 =	sld [smem:$0x3F99];
	s0 =	simm.s32 @p0 $0x1  }
0x13: {  	[smem:$0x3FB4] =	sst s0;
	s0 =	simm.s32 @!p1 $0x0  }
0x14: {  	s2 =	sld [smem:$0x3F98];
	s0 =	simm.s32 @p1 $0x1  }
0x15: {  	[smem:$0x3FB5] =	sst s0;
	s0 =	simm.s32 @!p2 $0x0  }
0x16: {  	s3 =	sld [smem:$0x3FDB];
	s0 =	simm.s32 @p2 $0x1  }
0x17: {  	s4 =	simm.s32 $0x1BF5;
	[smem:$0x3FB7] =	sst s0  }
0x18: {  	s0 =	sld [smem:$0x3F9A];
	_ =	swait.ge [sflag:s4], $0x0  }
0x19: {  	s7 =	sld [smem:$0x3F9B]  }
0x1a: {  	s8 =	sadd.s32 $0xFFFFE003, lr  }
0x1b: {  	s9 =	sadd.s32 $0xFFFFFEF7, lr;
	s5 =	simm.s32 $0xFFFFFFFF;
	p2 =	slt.u32 s8, $0xFFFFF086  }
0x1c: {  	p1 =	slt.u32 s9, $0xF7A;
	s5 =	simm.s32 @!p2 $0x0  }
0x1d: {  	s5 =	simm.s32 @p1 $0x1;
	p0 =	seq.s32 s7, s2  }
0x1e: {  	s7 =	smul.u32 @!p0 $0xF7A, s2;
	p2 =	seq.s32 @!p0 s5, $0x0  }
0x1f: {  	s9 =	smul.u32 $0xF7A, s1;
	s8 =	simm.s32 @!p0 $0x1BF5;
	p2 =	por !p2, p0  }
0x20: {  	[sflag:s8] =	ssyncset.s32 @!p0 $0xFFFFF086;
	s6 =	sadd.s32 @!p0 s3, s7;
	s7 =	simm.s32 @!p0 $0x108  }
0x21: {  	s3 =	sadd.s32 s3, s9;
	s6 =	sadd.s32 @!p0 $0x88, s6;
	s7 =	simm.s32 @p2 $0x1082  }
0x22: {  	[simem:s7], [sflag:s8] =	dma.local @!p0 [hbm:s6], $0xF7A  }
0x23: {  	s9 =	sor.u32 $0xD0000000, s2;
	s6 =	simm.s32 $0x108;
	_ =	swait.ge @!p0 [sflag:s8], $0x0  }
0x24: {  	s3 =	sadd.s32 $0x88, s3;
	s6 =	simm.s32 @!p1 $0x1082;
	[sflag:s4] =	ssyncset.s32 $0xFFFFF086  }
0x25: {  	[simem:s6], [sflag:s4] =	dma.local [hbm:s3], $0xF7A  }
0x26: {  	[smem:$0x3F9B] =	sst s1;
	(tag) =	ssettag s2;
	_ =	strace s9  }
0x27: {  	s1 =	sld [smem:$0x3FAB]  }
0x28: {  	s2 =	sld [smem:$0x3FAC]  }
0x29: {  	s4 =	sld [smem:$0x3FAE]  }
0x2a: {  	p0 =	seq.s32 s5, $0x0;
	s5 =	sld [smem:$0x3FAF]  }
0x2b: {  	s6 =	sld [smem:$0x3FB0]  }
0x2c: {  	s7 =	sld [smem:$0x3FB1]  }
0x2d: {  	s3 =	simm.s32 $0x108;
	s8 =	sld [smem:$0x3FB2]  }
0x2e: {  	s3 =	simm.s32 @!p0 $0x1082;
	s9 =	sld [smem:$0x3FB3]  }
0x2f: {  	lr =	sadd.s32 s0, s3;
	s0 =	sld [smem:$0x3FAA]  }
0x30: {  	s3 =	sld [smem:$0x3FAD]  }
0x31: {  	[smem:$0x3FB6] =	sst s10  }
0x32: {  	s10 =	sld [smem:$0x3FB4];
	_ =	sdelay $0x3  }
0x33: {  	p0 =	seq.s32 s10, $0x1;
	s10 =	sld [smem:$0x3FB6];
	_ =	sdelay $0x3  }
0x34: {  	[smem:$0x3FB6] =	sst s10  }
0x35: {  	s10 =	sld [smem:$0x3FB5];
	_ =	sdelay $0x3  }
0x36: {  	p1 =	seq.s32 s10, $0x1;
	s10 =	sld [smem:$0x3FB6];
	_ =	sdelay $0x3  }
0x37: {  	[smem:$0x3FB6] =	sst s10  }
0x38: {  	s10 =	sld [smem:$0x3FB7]  }
0x39: {  	_ = 	snop;
	(pc) =	sbr.ind lr, $3  }
0x3a: {  	_ = 	snop  }
0x3b: {  	_ = 	snop  }
0x3c: {  	p2 =	seq.s32 s10, $0x1;
	s10 =	sld [smem:$0x3FB6]  }
0x3d: {  	_ =	shalt  }
0x3e: {  	_ =	shalt  }
0x3f: {  	_ =	shalt  }
0x40: {  	_ =	shalt  }
0x41: {  	_ =	shalt  }
0x42: {  	_ =	shalt  }
0x43: {  	_ =	shalt  }
0x44: {  	_ =	shalt  }
0x45: {  	_ =	shalt  }
0x46: {  	_ =	shalt  }
0x47: {  	_ =	shalt  }
0x48: {  	_ =	shalt  }
0x49: {  	_ =	shalt  }
0x4a: {  	_ =	shalt  }
0x4b: {  	_ =	shalt  }
0x4c: {  	_ =	shalt  }
0x4d: {  	_ =	shalt  }
0x4e: {  	_ =	shalt  }
0x4f: {  	_ =	shalt  }
0x50: {  	_ =	shalt  }
0x51: {  	_ =	shalt  }
0x52: {  	_ =	shalt  }
0x53: {  	_ =	shalt  }
0x54: {  	_ =	shalt  }
0x55: {  	_ =	shalt  }
0x56: {  	_ =	shalt  }
0x57: {  	_ =	shalt  }
0x58: {  	_ =	shalt  }
0x59: {  	_ =	shalt  }
0x5a: {  	_ =	shalt  }
0x5b: {  	_ =	shalt  }
0x5c: {  	_ =	shalt  }
0x5d: {  	_ =	shalt  }
0x5e: {  	_ =	shalt  }
0x5f: {  	_ =	shalt  }
0x60: {  	_ =	shalt  }
0x61: {  	_ =	shalt  }
0x62: {  	_ =	shalt  }
0x63: {  	_ =	shalt  }
0x64: {  	_ =	shalt  }
0x65: {  	_ =	shalt  }
0x66: {  	_ =	shalt  }
0x67: {  	_ =	shalt  }
0x68: {  	_ =	shalt  }
0x69: {  	_ =	shalt  }
0x6a: {  	_ =	shalt  }
0x6b: {  	_ =	shalt  }
0x6c: {  	_ =	shalt  }
0x6d: {  	_ =	shalt  }
0x6e: {  	_ =	shalt  }
0x6f: {  	_ =	shalt  }
0x70: {  	_ =	shalt  }
0x71: {  	_ =	shalt  }
0x72: {  	_ =	shalt  }
0x73: {  	_ =	shalt  }
0x74: {  	_ =	shalt  }
0x75: {  	_ =	shalt  }
0x76: {  	_ =	shalt  }
0x77: {  	_ =	shalt  }
0x78: {  	_ =	shalt  }
0x79: {  	_ =	shalt  }
0x7a: {  	_ =	shalt  }
0x7b: {  	_ =	shalt  }
0x7c: {  	_ =	shalt  }
0x7d: {  	_ =	shalt  }
0x7e: {  	_ =	shalt  }
0x7f: {  	_ =	shalt  }
0x80: {  	_ =	shalt  }
0x81: {  	_ =	shalt  }
0x82: {  	_ =	shalt  }
0x83: {  	_ =	shalt  }
0x84: {  	_ =	shalt  }
0x85: {  	_ =	shalt  }
0x86: {  	_ =	shalt  }
0x87: {  	_ =	shalt  }
.Lfunc_end0:
.L_simem_size_0:
called_computation_lowered:
.L_overlay_start_0:
0x88: {  	s2 =	sld [smem:$0x3FD9]  }
0x89: {  	s3 =	sld [smem:$0x3FFE];
	_ =	sdelay $0x1  }
0x8a: {  	s1 =	srdreg.scid  }
0x8b: {  	s0 =	sand.u32 $0x1, s1  }
0x8c: {  	s16 =	sshll.u32 s0, $0xA;
	s2 =	sadd.s32 s3, s2  }
0x8d: {  	s2 =	sadd.s32 s2, s16  }
0x8e: {  	[smem:$0x3FC2] =	sst s2  }
0x8f: {  	_ = 	snop  }
0x90: {  	(tm) =	ssettm $0x1  }
0x91: {  	s17 =	sld [smem:$0x3FFB];
	_ =	sdelay $0x3  }
0x92: {  	_ =	strace s17  }
0x93: {  	s2 =	sld [smem:$0x3FFC];
	_ =	sdelay $0x3  }
0x94: {  	_ =	strace s2  }
0x95: {  	s2 =	sld [smem:$0x3FFD];
	_ =	sdelay $0x3  }
0x96: {  	_ =	strace s2  }
0x97: {  	_ =	strace $0x8FFFFFFF  }
0x98: {  	s18 =	sld [smem:$0x3FDB];
	_ =	sdelay $0x1  }
0x99: {  	s19 =	simm.s32 $_scs_section_size  }
0x9a: {  	s4 =	simm.s32 $_size__tile_overlayer_lowered;
	s5 =	simm.s32 $_tile_overlayer_lowered  }
0x9b: {  	s22 =	simm.s32 $0x1BFF;
	s21 =	sshll.u32 s5, $0x1;
	s2 =	sadd.s32 s19, s18  }
0x9c: {  	s6 =	simm.s32 $0x0;
	s20 =	sshll.u32 s4, $0x1;
	s4 =	sadd.s32 s21, s2  }
0x9d: {  	[timem:s6], [sflag:s22] =	dma.local [hbm:s4], s20  }
0x9e: {  	_ =	swait.ge [sflag:s22], s20  }
0x9f: {  	s3 =	ssub.s32 $0x0, s20;
	[sflag:s22] =	ssyncset.done $0x0  }
0xa0: {  	[sflag:s22] =	ssyncadd.s32 s3;
	_ =	sdelay $0x1  }
0xa1: {  	s23 =	simm.s32 $0x1B8B  }
0xa2: {  	_ =	swait.ge [sflag:s23], $0x1  }
0xa3: {  	[sflag:s23] =	ssyncset.done $0x0  }
0xa4: {  	s25 =	simm.s32 $0x1B8E;
	s24 =	sld [smem:$0x3FFE];
	[sflag:s23] =	ssyncadd.s32 $0xFFFFFFFF  }
0xa5: {  	s26 =	simm.s32 $execute0_lowered;
	[smem:$0x3FD2] =	sst s25  }
0xa6: {  	s4 =	sshll.u32 s26, $0x1;
	_ =	strace $0x80000046;
	[dreg:$0x1] =	wrdreg $0xFFFFFFFF  }
0xa7: {  	s28 =	simm.s32 $_size_execute0_lowered;
	s2 =	sadd.s32 s2, s4;
	[dreg:$0x0] =	wrdreg $0x0  }
0xa8: {  	s4 =	sshll.u32 s28, $0x1;
	[dreg:$0x2] =	wrdreg s2  }
0xa9: {  	[dreg:$0x3] =	wrdreg s4  }
0xaa: {  	[dreg:$0x4] =	wrdreg $0xC0  }
0xab: {  	_ =	task [dreg:s6], $0x5FFFF  }
0xac: {  	[dreg:$0x1] =	wrdreg $0xFFFFFFFF  }
0xad: {  	[dreg:$0x0] =	wrdreg $0x60  }
0xae: {  	[dreg:$0x2] =	wrdreg s24  }
0xaf: {  	[dreg:$0x3] =	wrdreg $0x40800  }
0xb0: {  	[dreg:$0x4] =	wrdreg $0x9  }
0xb1: {  	_ =	task.clear_ibuf [dreg:s6], $0x5FFFF;
	_ =	strace $0x90000046  }
0xb2: {  	s29 =	simm.s32 $0x9;
	_ =	strace $0x80000048  }
0xb3: {  	_ =	swait.ge [sflag:s29], $0x1  }
0xb4: {  	[sflag:s29] =	ssyncadd.s32 $0xFFFFFFFF  }
0xb5: {  	_ =	strace $0x90000048  }
0xb6: {  	_ =	sfence  }
0xb7: {  	s30 =	sld [smem:$0x0];
	_ =	sdelay $0x2  }
0xb8: {  	s31 =	sshll.u32 s1, $0xD;
	s1 =	sshrl.u32 s1, $0x2  }
0xb9: {  	s3 =	sand.u32 $0x4000, s31;
	s1 =	sadd.s32 s1, s30  }
0xba: {  	s0 =	sor.u32 s3, s0;
	s1 =	sshll.u32 s1, $0x11  }
0xbb: {  	s0 =	sor.u32 s1, s0  }
0xbc: {  	s0 =	sadd.s32 $0x8F2B, s0  }
0xbd: {  	[sflag:s0] =	ssyncadd.remote.s32 $0x1  }
0xbe: {  	_ =	sfence.sel $0xFFFF  }
0xbf: {  	[dreg:$0x0] =	wrdreg $0xFFFFFFFF;
	(pc) =	sbr.abs _section_cstart, $3  }
0xc0: {  	[dreg:$0x1] =	wrdreg $0xFFFFFFFF  }
0xc1: {  	_ =	task.clear_ibuf [dreg:s6], $0x2FFFF;
	_ =	strace $0x9FFFFFFF  }
0xc2: {  	(tm) =	ssettm $0x7FFFFFFF  }
0xc3: {  	_ =	shalt  }
tec
execute0_lowered:
.L_overlay_start_1:
0x0: {  	(tag) =	ssettag $0x1  }
0x1: {  	s4 =	rddreg [dreg:$0x0];
	s0 =	srdreg.scid  }
0x2: {  	s2 =	rddreg [dreg:$0x1];
	s1 =	stileid.u32  }
0x3: {  	s3 =	simm.s32 $0x0;
	s12 =	simm.s32 $0x80;
	s7 =	smul.u32 $0x14000, s1  }
0x4: {  	s13 =	simm.s32 $0x1;
	s16 =	simm.s32 $0x0;
	s28 =	smul.u32 $0x50000, s1  }
0x5: {  	s5 =	sand.u32 $0x1, s0;
	s0 =	rddreg [dreg:$0x2];
	s10 =	smul.u32 $0x4F0, s1  }
0x6: {  	[smem:$0x7FF] =	sst s3;
	s14 =	sshll.u32 s1, $0x6;
	s6 =	smul.u32 $0x140000, s5  }
0x7: {  	_ =	strace $0x80000047;
	s8 =	smul.u32 $0x4F00, s5;
	s5 =	ssub.s32 $0x2, s5  }
0x8: {  	s14 =	sor.u32 $0x1C01, s14;
	s29 =	sshrl.u32 s5, $0x1;
	s6 =	sadd.s32 s7, s6  }
0x9: {  	s31 =	sshrl.u32 s28, $0x2;
	s9 =	sadd.s32 s8, s4;
	s6 =	sshrl.u32 s6, $0x3  }
0xa: {  	s30 =	ssub.s32 s5, s29;
	s11 =	sadd.s32 s10, s9;
	s6 =	sadd.s32 s6, s4  }
0xb: {  	s4 =	sadd.s32 s31, s2;
	s11 =	sadd.s32 $0x2200, s11;
	s5 =	sadd.s32 $0xC000, s6  }
0xc: {  	s6 =	smax.u32 s30, $0x1;
	s7 =	sadd.s32 $0x4000, s4;
	s8 =	sadd.s32 $0x8000, s4  }
0xd: {  	v0 =	vimm.f32 $0.0e+00;
	v1 =	vimm.f32 $1.000000000e+00;
	s9 =	sadd.s32 $0xC000, s4;
	s10 =	sadd.s32 $0x10000, s4;
	s15 =	sshrl.u32 s4, $0x3  }
.LBB2_1:
0xe: {  	s17 =	simm.s32 $0x0;
	s18 =	simm.s32 $0x200  }
.LBB2_2:
0xf: {  	p0 =	sne.s32 s18, $0xFE00;
	[tilespmem:s17+$0xF0] =	vst v0  }
0x10: {  	[tilespmem:s17+$0x80] =	vst v0  }
0x11: {  	[tilespmem:s17+$0x90] =	vst v0  }
.Ltmp0:
0x12: {  	[tilespmem:s17+$0xA0] =	vst v0;
	(pc) =	sbr.rel @p0 .LBB2_2-.Ltmp0, $4  }
0x13: {  	[tilespmem:s17+$0xB0] =	vst v0  }
0x14: {  	[tilespmem:s17+$0xC0] =	vst v0  }
0x15: {  	[tilespmem:s17+$0xD0] =	vst v0  }
0x16: {  	[tilespmem:s17+$0xE0] =	vst v0;
	s17 =	sshra.s32 s18, $0x2;
	s18 =	sadd.s32 $0x200, s18  }
0x17: {  	[tilespmem:s17+$0xF0] =	vst v0  }
0x18: {  	[tilespmem:s17+$0x80] =	vst v0  }
0x19: {  	[tilespmem:s17+$0x90] =	vst v0  }
0x1a: {  	[tilespmem:s17+$0xA0] =	vst v0  }
0x1b: {  	[tilespmem:s17+$0xB0] =	vst v0  }
0x1c: {  	[tilespmem:s17+$0xC0] =	vst v0  }
0x1d: {  	[tilespmem:s17+$0xD0] =	vst v0  }
0x1e: {  	[tilespmem:s17+$0xE0] =	vst v0  }
0x1f: {  	[spmem:s4] =	stream.linear.scatter [tilespmem:s12], [sflag:$0x1], $0x4000, $0x38;
	[tilespmem:$0x18080] =	vst v63  }
0x20: {  	_ =	swait.ge [sflag:s13], $0x4000  }
0x21: {  	[sflag:s13] =	ssyncset.done $0x0  }
0x22: {  	[sflag:s13] =	ssyncadd.s32 $0xFFFFC000  }
0x23: {  	[spmem:s7] =	stream.linear.scatter [tilespmem:s12], [sflag:$0x1], $0x4000, $0x38;
	[tilespmem:$0x18080] =	vst v63  }
0x24: {  	_ =	swait.ge [sflag:s13], $0x4000  }
0x25: {  	[sflag:s13] =	ssyncset.done $0x0  }
0x26: {  	[sflag:s13] =	ssyncadd.s32 $0xFFFFC000  }
0x27: {  	[spmem:s8] =	stream.linear.scatter [tilespmem:s12], [sflag:$0x1], $0x4000, $0x38;
	[tilespmem:$0x18080] =	vst v63  }
0x28: {  	_ =	swait.ge [sflag:s13], $0x4000  }
0x29: {  	[sflag:s13] =	ssyncset.done $0x0  }
0x2a: {  	[sflag:s13] =	ssyncadd.s32 $0xFFFFC000  }
0x2b: {  	[spmem:s9] =	stream.linear.scatter [tilespmem:s12], [sflag:$0x1], $0x4000, $0x38;
	[tilespmem:$0x18080] =	vst v63  }
0x2c: {  	_ =	swait.ge [sflag:s13], $0x4000  }
0x2d: {  	[sflag:s13] =	ssyncset.done $0x0  }
0x2e: {  	[sflag:s13] =	ssyncadd.s32 $0xFFFFC000  }
0x2f: {  	[spmem:s10] =	stream.linear.scatter [tilespmem:s12], [sflag:$0x1], $0x4000, $0x38;
	[tilespmem:$0x18080] =	vst v63  }
0x30: {  	_ =	swait.ge [sflag:s13], $0x4000  }
0x31: {  	[sflag:s13] =	ssyncset.done $0x0  }
0x32: {  	s17 =	simm.s32 $0x0;
	s18 =	simm.s32 $0x200;
	[sflag:s13] =	ssyncadd.s32 $0xFFFFC000  }
.LBB2_4:
0x33: {  	p0 =	sne.s32 s18, $0xFE00;
	[tilespmem:s17+$0xF0] =	vst v1  }
0x34: {  	[tilespmem:s17+$0x80] =	vst v1  }
0x35: {  	[tilespmem:s17+$0x90] =	vst v1  }
.Ltmp1:
0x36: {  	[tilespmem:s17+$0xA0] =	vst v1;
	(pc) =	sbr.rel @p0 .LBB2_4-.Ltmp1, $4  }
0x37: {  	[tilespmem:s17+$0xB0] =	vst v1  }
0x38: {  	[tilespmem:s17+$0xC0] =	vst v1  }
0x39: {  	[tilespmem:s17+$0xD0] =	vst v1  }
0x3a: {  	[tilespmem:s17+$0xE0] =	vst v1;
	s17 =	sshra.s32 s18, $0x2;
	s18 =	sadd.s32 $0x200, s18  }
0x3b: {  	[tilespmem:s17+$0xF0] =	vst v1  }
0x3c: {  	[tilespmem:s17+$0x80] =	vst v1  }
0x3d: {  	[tilespmem:s17+$0x90] =	vst v1  }
0x3e: {  	[tilespmem:s17+$0xA0] =	vst v1  }
0x3f: {  	[tilespmem:s17+$0xB0] =	vst v1  }
0x40: {  	[tilespmem:s17+$0xC0] =	vst v1  }
0x41: {  	[tilespmem:s17+$0xD0] =	vst v1  }
0x42: {  	[tilespmem:s17+$0xE0] =	vst v1  }
0x43: {  	s31 =	sadd.s32 $0x0, s11;
	[bflag:$0x0] =	sbarrier.arrive $0xFFFF  }
0x44: {  	[tilespmem:s3], [sflag:$0x1] =	stream.linear.gather [hbm4b:s31+s3], $0x80, $0x38;
	[tilespmem:$0x18080] =	vst v63  }
0x45: {  	_ =	swait.ge [sflag:s13], $0x80  }
0x46: {  	[sflag:s13] =	ssyncset.done $0x0  }
0x47: {  	[sflag:s13] =	ssyncadd.s32 $0xFFFFFF80  }
0x48: {  	[spmem:s2] =	stream.indirect.scatter.add.f32 [tilespmem:s12], [sflag:$0x1], $0x80, s3, s12, $0xb8;
	[tilespmem:$0x18080] =	vst v63  }
0x49: {  	_ =	swait.ge [sflag:s13], $0x4000  }
0x4a: {  	s17 =	simm.s32 $0x10;
	s18 =	simm.s32 $0x20;
	[sflag:s13] =	ssyncset.done $0x0  }
.LBB2_6:
0x4b: {  	s19 =	sadd.s32 s17, s11  }
0x4c: {  	[sflag:s13] =	ssyncadd.s32 $0xFFFFC000;
	s17 =	smov.u32 s18;
	s20 =	sadd.s32 $0x10, s18  }
0x4d: {  	[tilespmem:s3], [sflag:$0x1] =	stream.linear.gather [hbm4b:s19+s3], $0x80, $0x38;
	[tilespmem:$0x18080] =	vst v63  }
0x4e: {  	p0 =	sne.s32 s18, $0x4E0;
	_ =	swait.ge [sflag:s13], $0x80  }
.Ltmp2:
0x4f: {  	[sflag:s13] =	ssyncset.done $0x0;
	(pc) =	sbr.rel @p0 .LBB2_6-.Ltmp2, $4  }
0x50: {  	[sflag:s13] =	ssyncadd.s32 $0xFFFFFF80  }
0x51: {  	[spmem:s2] =	stream.indirect.scatter.add.f32 [tilespmem:s12], [sflag:$0x1], $0x80, s3, s12, $0xb8;
	[tilespmem:$0x18080] =	vst v63  }
0x52: {  	_ =	swait.ge [sflag:s13], $0x4000  }
0x53: {  	s18 =	smov.u32 s20;
	[sflag:s13] =	ssyncset.done $0x0  }
0x54: {  	s17 =	sadd.s32 s17, s11;
	[sflag:s13] =	ssyncadd.s32 $0xFFFFC000  }
0x55: {  	[tilespmem:s3], [sflag:$0x1] =	stream.linear.gather [hbm4b:s17+s3], $0x80, $0x38;
	[tilespmem:$0x18080] =	vst v63  }
0x56: {  	_ =	swait.ge [sflag:s13], $0x80  }
0x57: {  	[sflag:s13] =	ssyncset.done $0x0  }
0x58: {  	[sflag:s13] =	ssyncadd.s32 $0xFFFFFF80  }
0x59: {  	[spmem:s2] =	stream.indirect.scatter.add.f32 [tilespmem:s12], [sflag:$0x1], $0x80, s3, s12, $0xb8;
	[tilespmem:$0x18080] =	vst v63  }
0x5a: {  	_ =	swait.ge [sflag:s13], $0x4000  }
0x5b: {  	s16 =	sadd.s32 $0x1, s16;
	[sflag:s13] =	ssyncset.done $0x0  }
0x5c: {  	p0 =	sne.s32 s16, s6;
	[sflag:s13] =	ssyncadd.s32 $0xFFFFC000  }
.Ltmp3:
0x5d: {  	[bflag:$0x0] =	sbarrier.arrive $0xFFFF;
	(pc) =	sbr.rel @p0 .LBB2_1-.Ltmp3, $4  }
0x5e: {  	[hbm:s5], [sflag:s14] =	dma.local [spmem:s15], $0x2800  }
0x5f: {  	_ =	swait.ge [sflag:s13], $0x2800  }
0x60: {  	[sflag:s13] =	ssyncset.done $0x0  }
0x61: {  	[sflag:s13] =	ssyncadd.s32 $0xFFFFD800  }
0x62: {  	_ =	sfence.sel $0x180000  }
0x63: {  	[bflag:$0x0] =	sbarrier.arrive $0xFFFF  }
0x64: {  	p0 =	sne.s32 s1, $0x0;
	_ =	strace $0x90000047  }
0x65: {  	s0 =	sadd.s32 @!p0 $0x100000, s0;
	[bflag:$0x2] =	sbarrier.arrive $0xFFFF  }
0x66: {  	[sflag:s0] =	ssyncadd.tile.s32 @!p0 $0x1;
	_ =	shalt  }
.Lfunc_end2:
_tile_overlayer_lowered:
.L_overlay_start_2:
0x67: {  	(tag) =	ssettag $0x2  }
0x68: {  	s0 =	rddreg [dreg:$0x0];
	s2 =	stileid.u32  }
0x69: {  	s1 =	rddreg [dreg:$0x1];
	p0 =	sne.s32 s2, $0x0  }
0x6a: {  	s3 =	rddreg [dreg:$0x2];
	[bflag:$0x3] =	sbarrier.arrive $0xFFFF;
	s2 =	simm.s32 @!p0 $0x1C01  }
0x6b: {  	[timem:s3], [sflag:s2] =	dma.local @!p0 [hbm:s0], s1  }
0x6c: {  	s0 =	simm.s32 @!p0 $0x1  }
0x6d: {  	_ =	swait.ge @!p0 [sflag:s0], s1  }
0x6e: {  	s1 =	ssub.s32 @!p0 $0x0, s1;
	[sflag:s0] =	ssyncset.done @!p0 $0x0  }
0x6f: {  	[sflag:s0] =	ssyncadd.s32 @!p0 s1  }
0x70: {  	[bflag:$0x3] =	sbarrier.arrive $0xFFFF  }
0x71: {  	_ =	shalt  }

</sc_bundles>
